<compile_context>
chip_gen: v7x
topology: tpu7x:2x2x1
jax: 0.10.2.dev20260603
libtpu: 0.0.44.dev20260713+nightly
codegen_flags: <defaults>
</compile_context>

<pallas_src>
import functools

import jax
import jax.numpy as jnp
from jax import lax
from jax.experimental import pallas as pl
from jax.experimental.pallas import tpu as pltpu
from jax.experimental.pallas import tpu_sc as plsc

N_FINE = 100000
C = 128
G = 128
NUM_G_FULL = N_FINE // G
TAIL = N_FINE - NUM_G_FULL * G
TAIL_BASE = NUM_G_FULL * G

_info = plsc.get_sparse_core_info()
NC, NS = _info.num_cores, _info.num_subcores
NW = NC * NS

K_HI = -(-NUM_G_FULL // NW)
K_LO = NUM_G_FULL // NW
N_BIG = NUM_G_FULL - K_LO * NW

NBUF = 7
D = 3
ROUNDS = -(-(K_HI + D) // NBUF)

L = 16


def _make_gather():
    mesh = plsc.VectorSubcoreMesh(core_axis_name="c", subcore_axis_name="s")

    scratch = (
        [pltpu.VMEM((G,), jnp.int32) for _ in range(NBUF)]
        + [pltpu.VMEM((G, C), jnp.float32) for _ in range(NBUF)]
        + [pltpu.SemaphoreType.DMA for _ in range(2 * NBUF)]
    )

    @functools.partial(
        pl.kernel,
        mesh=mesh,
        out_type=jax.ShapeDtypeStruct((N_FINE, C), jnp.float32),
        scratch_types=scratch,
    )
    def gather_kernel(feat_hbm, cluster_hbm, out_hbm, *bufs):
        idx = bufs[:NBUF]
        rows = bufs[NBUF:2 * NBUF]
        gsem = bufs[2 * NBUF:3 * NBUF]
        ssem = bufs[3 * NBUF:]

        wid = lax.axis_index("s") * NC + lax.axis_index("c")
        is_big = wid < N_BIG
        n_chunks = jnp.where(is_big, K_HI, K_LO)
        base_chunk = K_LO * wid + jnp.minimum(wid, N_BIG)

        def gather_of(k, b):
            return pltpu.make_async_copy(feat_hbm.at[idx[b]], rows[b], gsem[b])

        def store_of(k, b):
            return pltpu.make_async_copy(
                rows[b], out_hbm.at[pl.ds((base_chunk + k) * G, G)], ssem[b])

        def round_body(r, carry):
            k0 = r * NBUF
            for b in range(NBUF):
                k = k0 + b

                bc = (b - D) % NBUF
                kc = k - D

                @pl.when((kc >= 0) & (kc < n_chunks))
                def _(kc=kc, bc=bc):
                    gather_of(kc, bc).wait()
                    store_of(kc, bc).start()

                @pl.when(k < n_chunks)
                def _(k=k, b=b):
                    @pl.when(k >= NBUF)
                    def _():
                        store_of(k - NBUF, b).wait()

                    pltpu.sync_copy(
                        cluster_hbm.at[pl.ds((base_chunk + k) * G, G)], idx[b])
                    gather_of(k, b).start()

            return carry

        lax.fori_loop(0, ROUNDS, round_body, 0)

        for b in range(NBUF):
            last_k = (n_chunks - 1) - ((n_chunks - 1 - b) % NBUF)

            @pl.when(last_k >= 0)
            def _(last_k=last_k, b=b):
                store_of(last_k, b).wait()

        @pl.when(wid == NW - 1)
        def _():
            for j in range(G // L):
                idx[0][pl.ds(j * L, L)] = jnp.zeros((L,), jnp.int32)
            pltpu.sync_copy(cluster_hbm.at[pl.ds(TAIL_BASE, TAIL)],
                            idx[0].at[pl.ds(0, TAIL)])
            pltpu.async_copy(feat_hbm.at[idx[0]], rows[0], gsem[0]).wait()
            pltpu.sync_copy(rows[0].at[pl.ds(0, TAIL)],
                            out_hbm.at[pl.ds(TAIL_BASE, TAIL)])

    return gather_kernel


_gather = _make_gather()


def kernel(coord, feat, offset, cluster):
    feat_out = _gather(feat, cluster)
    return (coord, feat_out, offset)

# --- scband reference (transcript-rebuilt; emitter-appended) ---
"""Pipeline reference for scband-unpool-53687091200704 (READ-ONLY COPY).

The authoritative reference and input builder live on the scoring server;
editing this copy changes nothing except your own understanding.
"""

import jax, jax.numpy as jnp
import numpy as np


def setup_inputs(seed: int = 0) -> dict:
    key = jax.random.key(seed)
    k1, k2, k3, k4 = jax.random.split(key, 4)
    N_fine = 100000
    N_coarse = 25000
    C = 128
    coord = jax.random.normal(k1, (N_fine, 3), dtype=jnp.float32)
    feat = jax.random.normal(k2, (N_coarse, C), dtype=jnp.float32)
    offset = jnp.sort(jax.random.randint(k3, (4,), 0, N_fine, dtype=jnp.int32))
    cluster = jax.random.randint(k4, (N_fine,), 0, N_coarse, dtype=jnp.int32)
    return {"coord": coord, "feat": feat, "offset": offset, "cluster": cluster}


def reference(coord, feat, offset, cluster):
    # Unpool with backend='map', proj=False (Identity):
    # feat = proj(feat)[cluster] -> pure row gather from coarse features
    feat_out = jnp.take(feat, cluster, axis=0)
    return (coord, feat_out, offset)

if __name__ == "__main__":
    import jax
    _d = setup_inputs()
    print(jax.jit(kernel)(*tuple(_d.values())))

</pallas_src>

<mosaic_0001>
#map = affine_map<(d0, d1) -> (0, 0)>
#map1 = affine_map<(d0, d1) -> (0)>
module attributes {stable_mosaic.version = 14 : i64} {
  func.func @gather_kernel(%arg0: i32, %arg1: i32, %arg2: memref<25000x128xf32, #tpu.memory_space<hbm>>, %arg3: memref<100000xi32, #tpu.memory_space<hbm>>, %arg4: memref<100000x128xf32, #tpu.memory_space<hbm>>, %arg5: memref<128xi32, #tpu.memory_space<vmem>>, %arg6: memref<128xi32, #tpu.memory_space<vmem>>, %arg7: memref<128xi32, #tpu.memory_space<vmem>>, %arg8: memref<128xi32, #tpu.memory_space<vmem>>, %arg9: memref<128xi32, #tpu.memory_space<vmem>>, %arg10: memref<128xi32, #tpu.memory_space<vmem>>, %arg11: memref<128xi32, #tpu.memory_space<vmem>>, %arg12: memref<128x128xf32, #tpu.memory_space<vmem>>, %arg13: memref<128x128xf32, #tpu.memory_space<vmem>>, %arg14: memref<128x128xf32, #tpu.memory_space<vmem>>, %arg15: memref<128x128xf32, #tpu.memory_space<vmem>>, %arg16: memref<128x128xf32, #tpu.memory_space<vmem>>, %arg17: memref<128x128xf32, #tpu.memory_space<vmem>>, %arg18: memref<128x128xf32, #tpu.memory_space<vmem>>, %arg19: memref<!tpu.dma_semaphore, #tpu.memory_space<semaphore_mem>>, %arg20: memref<!tpu.dma_semaphore, #tpu.memory_space<semaphore_mem>>, %arg21: memref<!tpu.dma_semaphore, #tpu.memory_space<semaphore_mem>>, %arg22: memref<!tpu.dma_semaphore, #tpu.memory_space<semaphore_mem>>, %arg23: memref<!tpu.dma_semaphore, #tpu.memory_space<semaphore_mem>>, %arg24: memref<!tpu.dma_semaphore, #tpu.memory_space<semaphore_mem>>, %arg25: memref<!tpu.dma_semaphore, #tpu.memory_space<semaphore_mem>>, %arg26: memref<!tpu.dma_semaphore, #tpu.memory_space<semaphore_mem>>, %arg27: memref<!tpu.dma_semaphore, #tpu.memory_space<semaphore_mem>>, %arg28: memref<!tpu.dma_semaphore, #tpu.memory_space<semaphore_mem>>, %arg29: memref<!tpu.dma_semaphore, #tpu.memory_space<semaphore_mem>>, %arg30: memref<!tpu.dma_semaphore, #tpu.memory_space<semaphore_mem>>, %arg31: memref<!tpu.dma_semaphore, #tpu.memory_space<semaphore_mem>>, %arg32: memref<!tpu.dma_semaphore, #tpu.memory_space<semaphore_mem>>) attributes {dimension_semantics = [#tpu.dimension_semantics<core_parallel>, #tpu.dimension_semantics<subcore_parallel>], iteration_bounds = array<i64: 2, 16>, scalar_prefetch = 0 : i64, scratch_operands = 28 : i64, tpu.core_type = #tpu.core_type<sc_vector_subcore>, window_params = [{transform_indices = #map}, {transform_indices = #map1}, {transform_indices = #map}]} {
    %mul3A = arith.constant 2 : i32
    %mul3A_0 = arith.muli %arg1, %mul3A : i32
    %add3A = arith.addi %mul3A_0, %arg0 : i32
    %lt3A = arith.constant 13 : i32
    %lt3A_1 = arith.cmpi slt, %add3A, %lt3A : i32
    %jit3A = arith.constant 25 : i32
    %jit3A_2 = arith.constant 24 : i32
    %select_n3A = arith.select %lt3A_1, %jit3A, %jit3A_2 : i32
    %mul3A_3 = arith.constant 24 : i32
    %mul3A_4 = arith.muli %mul3A_3, %add3A : i32
    %min3A = arith.constant 13 : i32
    %min3A_5 = arith.minsi %add3A, %min3A : i32
    %add3A_6 = arith.addi %mul3A_4, %min3A_5 : i32
    %scan3A = arith.constant 0 : i32
    %scan3A_7 = arith.constant 0 : i32
    %scan3A_8 = arith.constant 4 : i32
    %scan3A_9 = arith.addi %scan3A_7, %scan3A_8 : i32
    %scan3A_10 = arith.constant 1 : i32
    scf.for %scan3A_205 = %scan3A_7 to %scan3A_9 step %scan3A_10  : i32 {
      %mul3A_206 = arith.constant 7 : i32
      %mul3A_207 = arith.muli %scan3A_205, %mul3A_206 : i32
      %add3A_208 = arith.constant 0 : i32
      %add3A_209 = arith.addi %mul3A_207, %add3A_208 : i32
      %sub3A_210 = arith.constant 3 : i32
      %sub3A_211 = arith.subi %add3A_209, %sub3A_210 : i32
      %ge3A_212 = arith.constant 0 : i32
      %ge3A_213 = arith.cmpi sge, %sub3A_211, %ge3A_212 : i32
      %lt3A_214 = arith.cmpi slt, %sub3A_211, %select_n3A : i32
      %and3A_215 = arith.andi %ge3A_213, %lt3A_214 : i1
      %convert_element_type3A_216 = arith.extui %and3A_215 : i1 to i32
      %cond3A_217 = arith.constant 0 : i32
      %cond3A_218 = arith.cmpi ne, %convert_element_type3A_216, %cond3A_217 : i32
      scf.if %cond3A_218 {
        %dma_wait3A = arith.constant 0 : i32
        %dma_wait3A_313 = arith.constant 0 : i32
        %dma_wait3A_314 = tpu.memref_slice %arg2[%dma_wait3A, %dma_wait3A_313] : memref<25000x128xf32, #tpu.memory_space<hbm>> -> memref<25000x128xf32, #tpu.memory_space<hbm>>
        tpu.wait_indirect_dma semaphore(%arg23 : memref<!tpu.dma_semaphore, #tpu.memory_space<semaphore_mem>>) src(%dma_wait3A_314 : memref<25000x128xf32, #tpu.memory_space<hbm>>) dst(%arg16 : memref<128x128xf32, #tpu.memory_space<vmem>>)
        %add3A_315 = arith.addi %add3A_6, %sub3A_211 : i32
        %mul3A_316 = arith.constant 128 : i32
        %mul3A_317 = arith.muli %add3A_315, %mul3A_316 : i32
        %dma_start3A = arith.constant 0 : i32
        %dma_start3A_318 = tpu.memref_slice %arg4[%mul3A_317, %dma_start3A] : memref<100000x128xf32, #tpu.memory_space<hbm>> -> memref<128x128xf32, #tpu.memory_space<hbm>>
        %dma_start3A_319 = arith.constant 0 : i32
        %dma_start3A_320 = tpu.memref_slice %arg4[%mul3A_317, %dma_start3A_319] : memref<100000x128xf32, #tpu.memory_space<hbm>> -> memref<128x128xf32, #tpu.memory_space<hbm>>
        tpu.enqueue_dma source(%arg16 : memref<128x128xf32, #tpu.memory_space<vmem>>) target(%dma_start3A_320 : memref<128x128xf32, #tpu.memory_space<hbm>>) target_semaphore(%arg30 : memref<!tpu.dma_semaphore, #tpu.memory_space<semaphore_mem>>)
      } else {
      }
      %lt3A_219 = arith.cmpi slt, %add3A_209, %select_n3A : i32
      %convert_element_type3A_220 = arith.extui %lt3A_219 : i1 to i32
      %cond3A_221 = arith.constant 0 : i32
      %cond3A_222 = arith.cmpi ne, %convert_element_type3A_220, %cond3A_221 : i32
      scf.if %cond3A_222 {
        %ge3A_313 = arith.constant 7 : i32
        %ge3A_314 = arith.cmpi sge, %add3A_209, %ge3A_313 : i32
        %convert_element_type3A_315 = arith.extui %ge3A_314 : i1 to i32
        %cond3A_316 = arith.constant 0 : i32
        %cond3A_317 = arith.cmpi ne, %convert_element_type3A_315, %cond3A_316 : i32
        scf.if %cond3A_317 {
          %sub3A_323 = arith.constant 7 : i32
          %sub3A_324 = arith.subi %add3A_209, %sub3A_323 : i32
          %add3A_325 = arith.addi %add3A_6, %sub3A_324 : i32
          %mul3A_326 = arith.constant 128 : i32
          %mul3A_327 = arith.muli %add3A_325, %mul3A_326 : i32
          %dma_wait3A = arith.constant 0 : i32
          %dma_wait3A_328 = tpu.memref_slice %arg4[%mul3A_327, %dma_wait3A] : memref<100000x128xf32, #tpu.memory_space<hbm>> -> memref<128x128xf32, #tpu.memory_space<hbm>>
          %dma_wait3A_329 = arith.constant 0 : i32
          %dma_wait3A_330 = tpu.memref_slice %arg4[%mul3A_327, %dma_wait3A_329] : memref<100000x128xf32, #tpu.memory_space<hbm>> -> memref<128x128xf32, #tpu.memory_space<hbm>>
          tpu.wait_dma2 semaphore(%arg26 : memref<!tpu.dma_semaphore, #tpu.memory_space<semaphore_mem>>) src(%arg12 : memref<128x128xf32, #tpu.memory_space<vmem>>) dst(%dma_wait3A_330 : memref<128x128xf32, #tpu.memory_space<hbm>>)
        } else {
        }
        %add3A_318 = arith.addi %add3A_6, %add3A_209 : i32
        %mul3A_319 = arith.constant 128 : i32
        %mul3A_320 = arith.muli %add3A_318, %mul3A_319 : i32
        "tpu.region"() ({
          %run_scoped3A = tpu.sem_alloc : memref<!tpu.dma_semaphore, #tpu.memory_space<semaphore_mem>>
          %dma_start3A_323 = tpu.memref_slice %arg3[%mul3A_320] : memref<100000xi32, #tpu.memory_space<hbm>> -> memref<128xi32, #tpu.memory_space<hbm>>
          %dma_start3A_324 = tpu.memref_slice %arg3[%mul3A_320] : memref<100000xi32, #tpu.memory_space<hbm>> -> memref<128xi32, #tpu.memory_space<hbm>>
          tpu.enqueue_dma source(%dma_start3A_324 : memref<128xi32, #tpu.memory_space<hbm>>) target(%arg5 : memref<128xi32, #tpu.memory_space<vmem>>) target_semaphore(%run_scoped3A : memref<!tpu.dma_semaphore, #tpu.memory_space<semaphore_mem>>)
          %dma_wait3A = tpu.memref_slice %arg3[%mul3A_320] : memref<100000xi32, #tpu.memory_space<hbm>> -> memref<128xi32, #tpu.memory_space<hbm>>
          %dma_wait3A_325 = tpu.memref_slice %arg3[%mul3A_320] : memref<100000xi32, #tpu.memory_space<hbm>> -> memref<128xi32, #tpu.memory_space<hbm>>
          tpu.wait_dma2 semaphore(%run_scoped3A : memref<!tpu.dma_semaphore, #tpu.memory_space<semaphore_mem>>) src(%dma_wait3A_325 : memref<128xi32, #tpu.memory_space<hbm>>) dst(%arg5 : memref<128xi32, #tpu.memory_space<vmem>>)
          tpu.yield
        }) : () -> ()
        %dma_start3A = arith.constant 0 : i32
        %dma_start3A_321 = arith.constant 0 : i32
        %dma_start3A_322 = tpu.memref_slice %arg2[%dma_start3A, %dma_start3A_321] : memref<25000x128xf32, #tpu.memory_space<hbm>> -> memref<25000x128xf32, #tpu.memory_space<hbm>>
        tpu.enqueue_indirect_dma source(%dma_start3A_322 : memref<25000x128xf32, #tpu.memory_space<hbm>>) target(%arg12 : memref<128x128xf32, #tpu.memory_space<vmem>>) offsets(%arg5 : memref<128xi32, #tpu.memory_space<vmem>>) semaphore(%arg19 : memref<!tpu.dma_semaphore, #tpu.memory_space<semaphore_mem>>)
      } else {
      }
      %add3A_223 = arith.constant 1 : i32
      %add3A_224 = arith.addi %mul3A_207, %add3A_223 : i32
      %sub3A_225 = arith.constant 3 : i32
      %sub3A_226 = arith.subi %add3A_224, %sub3A_225 : i32
      %ge3A_227 = arith.constant 0 : i32
      %ge3A_228 = arith.cmpi sge, %sub3A_226, %ge3A_227 : i32
      %lt3A_229 = arith.cmpi slt, %sub3A_226, %select_n3A : i32
      %and3A_230 = arith.andi %ge3A_228, %lt3A_229 : i1
      %convert_element_type3A_231 = arith.extui %and3A_230 : i1 to i32
      %cond3A_232 = arith.constant 0 : i32
      %cond3A_233 = arith.cmpi ne, %convert_element_type3A_231, %cond3A_232 : i32
      scf.if %cond3A_233 {
        %dma_wait3A = arith.constant 0 : i32
        %dma_wait3A_313 = arith.constant 0 : i32
        %dma_wait3A_314 = tpu.memref_slice %arg2[%dma_wait3A, %dma_wait3A_313] : memref<25000x128xf32, #tpu.memory_space<hbm>> -> memref<25000x128xf32, #tpu.memory_space<hbm>>
        tpu.wait_indirect_dma semaphore(%arg24 : memref<!tpu.dma_semaphore, #tpu.memory_space<semaphore_mem>>) src(%dma_wait3A_314 : memref<25000x128xf32, #tpu.memory_space<hbm>>) dst(%arg17 : memref<128x128xf32, #tpu.memory_space<vmem>>)
        %add3A_315 = arith.addi %add3A_6, %sub3A_226 : i32
        %mul3A_316 = arith.constant 128 : i32
        %mul3A_317 = arith.muli %add3A_315, %mul3A_316 : i32
        %dma_start3A = arith.constant 0 : i32
        %dma_start3A_318 = tpu.memref_slice %arg4[%mul3A_317, %dma_start3A] : memref<100000x128xf32, #tpu.memory_space<hbm>> -> memref<128x128xf32, #tpu.memory_space<hbm>>
        %dma_start3A_319 = arith.constant 0 : i32
        %dma_start3A_320 = tpu.memref_slice %arg4[%mul3A_317, %dma_start3A_319] : memref<100000x128xf32, #tpu.memory_space<hbm>> -> memref<128x128xf32, #tpu.memory_space<hbm>>
        tpu.enqueue_dma source(%arg17 : memref<128x128xf32, #tpu.memory_space<vmem>>) target(%dma_start3A_320 : memref<128x128xf32, #tpu.memory_space<hbm>>) target_semaphore(%arg31 : memref<!tpu.dma_semaphore, #tpu.memory_space<semaphore_mem>>)
      } else {
      }
      %lt3A_234 = arith.cmpi slt, %add3A_224, %select_n3A : i32
      %convert_element_type3A_235 = arith.extui %lt3A_234 : i1 to i32
      %cond3A_236 = arith.constant 0 : i32
      %cond3A_237 = arith.cmpi ne, %convert_element_type3A_235, %cond3A_236 : i32
      scf.if %cond3A_237 {
        %ge3A_313 = arith.constant 7 : i32
        %ge3A_314 = arith.cmpi sge, %add3A_224, %ge3A_313 : i32
        %convert_element_type3A_315 = arith.extui %ge3A_314 : i1 to i32
        %cond3A_316 = arith.constant 0 : i32
        %cond3A_317 = arith.cmpi ne, %convert_element_type3A_315, %cond3A_316 : i32
        scf.if %cond3A_317 {
          %sub3A_323 = arith.constant 7 : i32
          %sub3A_324 = arith.subi %add3A_224, %sub3A_323 : i32
          %add3A_325 = arith.addi %add3A_6, %sub3A_324 : i32
          %mul3A_326 = arith.constant 128 : i32
          %mul3A_327 = arith.muli %add3A_325, %mul3A_326 : i32
          %dma_wait3A = arith.constant 0 : i32
          %dma_wait3A_328 = tpu.memref_slice %arg4[%mul3A_327, %dma_wait3A] : memref<100000x128xf32, #tpu.memory_space<hbm>> -> memref<128x128xf32, #tpu.memory_space<hbm>>
          %dma_wait3A_329 = arith.constant 0 : i32
          %dma_wait3A_330 = tpu.memref_slice %arg4[%mul3A_327, %dma_wait3A_329] : memref<100000x128xf32, #tpu.memory_space<hbm>> -> memref<128x128xf32, #tpu.memory_space<hbm>>
          tpu.wait_dma2 semaphore(%arg27 : memref<!tpu.dma_semaphore, #tpu.memory_space<semaphore_mem>>) src(%arg13 : memref<128x128xf32, #tpu.memory_space<vmem>>) dst(%dma_wait3A_330 : memref<128x128xf32, #tpu.memory_space<hbm>>)
        } else {
        }
        %add3A_318 = arith.addi %add3A_6, %add3A_224 : i32
        %mul3A_319 = arith.constant 128 : i32
        %mul3A_320 = arith.muli %add3A_318, %mul3A_319 : i32
        "tpu.region"() ({
          %run_scoped3A = tpu.sem_alloc : memref<!tpu.dma_semaphore, #tpu.memory_space<semaphore_mem>>
          %dma_start3A_323 = tpu.memref_slice %arg3[%mul3A_320] : memref<100000xi32, #tpu.memory_space<hbm>> -> memref<128xi32, #tpu.memory_space<hbm>>
          %dma_start3A_324 = tpu.memref_slice %arg3[%mul3A_320] : memref<100000xi32, #tpu.memory_space<hbm>> -> memref<128xi32, #tpu.memory_space<hbm>>
          tpu.enqueue_dma source(%dma_start3A_324 : memref<128xi32, #tpu.memory_space<hbm>>) target(%arg6 : memref<128xi32, #tpu.memory_space<vmem>>) target_semaphore(%run_scoped3A : memref<!tpu.dma_semaphore, #tpu.memory_space<semaphore_mem>>)
          %dma_wait3A = tpu.memref_slice %arg3[%mul3A_320] : memref<100000xi32, #tpu.memory_space<hbm>> -> memref<128xi32, #tpu.memory_space<hbm>>
          %dma_wait3A_325 = tpu.memref_slice %arg3[%mul3A_320] : memref<100000xi32, #tpu.memory_space<hbm>> -> memref<128xi32, #tpu.memory_space<hbm>>
          tpu.wait_dma2 semaphore(%run_scoped3A : memref<!tpu.dma_semaphore, #tpu.memory_space<semaphore_mem>>) src(%dma_wait3A_325 : memref<128xi32, #tpu.memory_space<hbm>>) dst(%arg6 : memref<128xi32, #tpu.memory_space<vmem>>)
          tpu.yield
        }) : () -> ()
        %dma_start3A = arith.constant 0 : i32
        %dma_start3A_321 = arith.constant 0 : i32
        %dma_start3A_322 = tpu.memref_slice %arg2[%dma_start3A, %dma_start3A_321] : memref<25000x128xf32, #tpu.memory_space<hbm>> -> memref<25000x128xf32, #tpu.memory_space<hbm>>
        tpu.enqueue_indirect_dma source(%dma_start3A_322 : memref<25000x128xf32, #tpu.memory_space<hbm>>) target(%arg13 : memref<128x128xf32, #tpu.memory_space<vmem>>) offsets(%arg6 : memref<128xi32, #tpu.memory_space<vmem>>) semaphore(%arg20 : memref<!tpu.dma_semaphore, #tpu.memory_space<semaphore_mem>>)
      } else {
      }
      %add3A_238 = arith.constant 2 : i32
      %add3A_239 = arith.addi %mul3A_207, %add3A_238 : i32
      %sub3A_240 = arith.constant 3 : i32
      %sub3A_241 = arith.subi %add3A_239, %sub3A_240 : i32
      %ge3A_242 = arith.constant 0 : i32
      %ge3A_243 = arith.cmpi sge, %sub3A_241, %ge3A_242 : i32
      %lt3A_244 = arith.cmpi slt, %sub3A_241, %select_n3A : i32
      %and3A_245 = arith.andi %ge3A_243, %lt3A_244 : i1
      %convert_element_type3A_246 = arith.extui %and3A_245 : i1 to i32
      %cond3A_247 = arith.constant 0 : i32
      %cond3A_248 = arith.cmpi ne, %convert_element_type3A_246, %cond3A_247 : i32
      scf.if %cond3A_248 {
        %dma_wait3A = arith.constant 0 : i32
        %dma_wait3A_313 = arith.constant 0 : i32
        %dma_wait3A_314 = tpu.memref_slice %arg2[%dma_wait3A, %dma_wait3A_313] : memref<25000x128xf32, #tpu.memory_space<hbm>> -> memref<25000x128xf32, #tpu.memory_space<hbm>>
        tpu.wait_indirect_dma semaphore(%arg25 : memref<!tpu.dma_semaphore, #tpu.memory_space<semaphore_mem>>) src(%dma_wait3A_314 : memref<25000x128xf32, #tpu.memory_space<hbm>>) dst(%arg18 : memref<128x128xf32, #tpu.memory_space<vmem>>)
        %add3A_315 = arith.addi %add3A_6, %sub3A_241 : i32
        %mul3A_316 = arith.constant 128 : i32
        %mul3A_317 = arith.muli %add3A_315, %mul3A_316 : i32
        %dma_start3A = arith.constant 0 : i32
        %dma_start3A_318 = tpu.memref_slice %arg4[%mul3A_317, %dma_start3A] : memref<100000x128xf32, #tpu.memory_space<hbm>> -> memref<128x128xf32, #tpu.memory_space<hbm>>
        %dma_start3A_319 = arith.constant 0 : i32
        %dma_start3A_320 = tpu.memref_slice %arg4[%mul3A_317, %dma_start3A_319] : memref<100000x128xf32, #tpu.memory_space<hbm>> -> memref<128x128xf32, #tpu.memory_space<hbm>>
        tpu.enqueue_dma source(%arg18 : memref<128x128xf32, #tpu.memory_space<vmem>>) target(%dma_start3A_320 : memref<128x128xf32, #tpu.memory_space<hbm>>) target_semaphore(%arg32 : memref<!tpu.dma_semaphore, #tpu.memory_space<semaphore_mem>>)
      } else {
      }
      %lt3A_249 = arith.cmpi slt, %add3A_239, %select_n3A : i32
      %convert_element_type3A_250 = arith.extui %lt3A_249 : i1 to i32
      %cond3A_251 = arith.constant 0 : i32
      %cond3A_252 = arith.cmpi ne, %convert_element_type3A_250, %cond3A_251 : i32
      scf.if %cond3A_252 {
        %ge3A_313 = arith.constant 7 : i32
        %ge3A_314 = arith.cmpi sge, %add3A_239, %ge3A_313 : i32
        %convert_element_type3A_315 = arith.extui %ge3A_314 : i1 to i32
        %cond3A_316 = arith.constant 0 : i32
        %cond3A_317 = arith.cmpi ne, %convert_element_type3A_315, %cond3A_316 : i32
        scf.if %cond3A_317 {
          %sub3A_323 = arith.constant 7 : i32
          %sub3A_324 = arith.subi %add3A_239, %sub3A_323 : i32
          %add3A_325 = arith.addi %add3A_6, %sub3A_324 : i32
          %mul3A_326 = arith.constant 128 : i32
          %mul3A_327 = arith.muli %add3A_325, %mul3A_326 : i32
          %dma_wait3A = arith.constant 0 : i32
          %dma_wait3A_328 = tpu.memref_slice %arg4[%mul3A_327, %dma_wait3A] : memref<100000x128xf32, #tpu.memory_space<hbm>> -> memref<128x128xf32, #tpu.memory_space<hbm>>
          %dma_wait3A_329 = arith.constant 0 : i32
          %dma_wait3A_330 = tpu.memref_slice %arg4[%mul3A_327, %dma_wait3A_329] : memref<100000x128xf32, #tpu.memory_space<hbm>> -> memref<128x128xf32, #tpu.memory_space<hbm>>
          tpu.wait_dma2 semaphore(%arg28 : memref<!tpu.dma_semaphore, #tpu.memory_space<semaphore_mem>>) src(%arg14 : memref<128x128xf32, #tpu.memory_space<vmem>>) dst(%dma_wait3A_330 : memref<128x128xf32, #tpu.memory_space<hbm>>)
        } else {
        }
        %add3A_318 = arith.addi %add3A_6, %add3A_239 : i32
        %mul3A_319 = arith.constant 128 : i32
        %mul3A_320 = arith.muli %add3A_318, %mul3A_319 : i32
        "tpu.region"() ({
          %run_scoped3A = tpu.sem_alloc : memref<!tpu.dma_semaphore, #tpu.memory_space<semaphore_mem>>
          %dma_start3A_323 = tpu.memref_slice %arg3[%mul3A_320] : memref<100000xi32, #tpu.memory_space<hbm>> -> memref<128xi32, #tpu.memory_space<hbm>>
          %dma_start3A_324 = tpu.memref_slice %arg3[%mul3A_320] : memref<100000xi32, #tpu.memory_space<hbm>> -> memref<128xi32, #tpu.memory_space<hbm>>
          tpu.enqueue_dma source(%dma_start3A_324 : memref<128xi32, #tpu.memory_space<hbm>>) target(%arg7 : memref<128xi32, #tpu.memory_space<vmem>>) target_semaphore(%run_scoped3A : memref<!tpu.dma_semaphore, #tpu.memory_space<semaphore_mem>>)
          %dma_wait3A = tpu.memref_slice %arg3[%mul3A_320] : memref<100000xi32, #tpu.memory_space<hbm>> -> memref<128xi32, #tpu.memory_space<hbm>>
          %dma_wait3A_325 = tpu.memref_slice %arg3[%mul3A_320] : memref<100000xi32, #tpu.memory_space<hbm>> -> memref<128xi32, #tpu.memory_space<hbm>>
          tpu.wait_dma2 semaphore(%run_scoped3A : memref<!tpu.dma_semaphore, #tpu.memory_space<semaphore_mem>>) src(%dma_wait3A_325 : memref<128xi32, #tpu.memory_space<hbm>>) dst(%arg7 : memref<128xi32, #tpu.memory_space<vmem>>)
          tpu.yield
        }) : () -> ()
        %dma_start3A = arith.constant 0 : i32
        %dma_start3A_321 = arith.constant 0 : i32
        %dma_start3A_322 = tpu.memref_slice %arg2[%dma_start3A, %dma_start3A_321] : memref<25000x128xf32, #tpu.memory_space<hbm>> -> memref<25000x128xf32, #tpu.memory_space<hbm>>
        tpu.enqueue_indirect_dma source(%dma_start3A_322 : memref<25000x128xf32, #tpu.memory_space<hbm>>) target(%arg14 : memref<128x128xf32, #tpu.memory_space<vmem>>) offsets(%arg7 : memref<128xi32, #tpu.memory_space<vmem>>) semaphore(%arg21 : memref<!tpu.dma_semaphore, #tpu.memory_space<semaphore_mem>>)
      } else {
      }
      %add3A_253 = arith.constant 3 : i32
      %add3A_254 = arith.addi %mul3A_207, %add3A_253 : i32
      %sub3A_255 = arith.constant 3 : i32
      %sub3A_256 = arith.subi %add3A_254, %sub3A_255 : i32
      %ge3A_257 = arith.constant 0 : i32
      %ge3A_258 = arith.cmpi sge, %sub3A_256, %ge3A_257 : i32
      %lt3A_259 = arith.cmpi slt, %sub3A_256, %select_n3A : i32
      %and3A_260 = arith.andi %ge3A_258, %lt3A_259 : i1
      %convert_element_type3A_261 = arith.extui %and3A_260 : i1 to i32
      %cond3A_262 = arith.constant 0 : i32
      %cond3A_263 = arith.cmpi ne, %convert_element_type3A_261, %cond3A_262 : i32
      scf.if %cond3A_263 {
        %dma_wait3A = arith.constant 0 : i32
        %dma_wait3A_313 = arith.constant 0 : i32
        %dma_wait3A_314 = tpu.memref_slice %arg2[%dma_wait3A, %dma_wait3A_313] : memref<25000x128xf32, #tpu.memory_space<hbm>> -> memref<25000x128xf32, #tpu.memory_space<hbm>>
        tpu.wait_indirect_dma semaphore(%arg19 : memref<!tpu.dma_semaphore, #tpu.memory_space<semaphore_mem>>) src(%dma_wait3A_314 : memref<25000x128xf32, #tpu.memory_space<hbm>>) dst(%arg12 : memref<128x128xf32, #tpu.memory_space<vmem>>)
        %add3A_315 = arith.addi %add3A_6, %sub3A_256 : i32
        %mul3A_316 = arith.constant 128 : i32
        %mul3A_317 = arith.muli %add3A_315, %mul3A_316 : i32
        %dma_start3A = arith.constant 0 : i32
        %dma_start3A_318 = tpu.memref_slice %arg4[%mul3A_317, %dma_start3A] : memref<100000x128xf32, #tpu.memory_space<hbm>> -> memref<128x128xf32, #tpu.memory_space<hbm>>
        %dma_start3A_319 = arith.constant 0 : i32
        %dma_start3A_320 = tpu.memref_slice %arg4[%mul3A_317, %dma_start3A_319] : memref<100000x128xf32, #tpu.memory_space<hbm>> -> memref<128x128xf32, #tpu.memory_space<hbm>>
        tpu.enqueue_dma source(%arg12 : memref<128x128xf32, #tpu.memory_space<vmem>>) target(%dma_start3A_320 : memref<128x128xf32, #tpu.memory_space<hbm>>) target_semaphore(%arg26 : memref<!tpu.dma_semaphore, #tpu.memory_space<semaphore_mem>>)
      } else {
      }
      %lt3A_264 = arith.cmpi slt, %add3A_254, %select_n3A : i32
      %convert_element_type3A_265 = arith.extui %lt3A_264 : i1 to i32
      %cond3A_266 = arith.constant 0 : i32
      %cond3A_267 = arith.cmpi ne, %convert_element_type3A_265, %cond3A_266 : i32
      scf.if %cond3A_267 {
        %ge3A_313 = arith.constant 7 : i32
        %ge3A_314 = arith.cmpi sge, %add3A_254, %ge3A_313 : i32
        %convert_element_type3A_315 = arith.extui %ge3A_314 : i1 to i32
        %cond3A_316 = arith.constant 0 : i32
        %cond3A_317 = arith.cmpi ne, %convert_element_type3A_315, %cond3A_316 : i32
        scf.if %cond3A_317 {
          %sub3A_323 = arith.constant 7 : i32
          %sub3A_324 = arith.subi %add3A_254, %sub3A_323 : i32
          %add3A_325 = arith.addi %add3A_6, %sub3A_324 : i32
          %mul3A_326 = arith.constant 128 : i32
          %mul3A_327 = arith.muli %add3A_325, %mul3A_326 : i32
          %dma_wait3A = arith.constant 0 : i32
          %dma_wait3A_328 = tpu.memref_slice %arg4[%mul3A_327, %dma_wait3A] : memref<100000x128xf32, #tpu.memory_space<hbm>> -> memref<128x128xf32, #tpu.memory_space<hbm>>
          %dma_wait3A_329 = arith.constant 0 : i32
          %dma_wait3A_330 = tpu.memref_slice %arg4[%mul3A_327, %dma_wait3A_329] : memref<100000x128xf32, #tpu.memory_space<hbm>> -> memref<128x128xf32, #tpu.memory_space<hbm>>
          tpu.wait_dma2 semaphore(%arg29 : memref<!tpu.dma_semaphore, #tpu.memory_space<semaphore_mem>>) src(%arg15 : memref<128x128xf32, #tpu.memory_space<vmem>>) dst(%dma_wait3A_330 : memref<128x128xf32, #tpu.memory_space<hbm>>)
        } else {
        }
        %add3A_318 = arith.addi %add3A_6, %add3A_254 : i32
        %mul3A_319 = arith.constant 128 : i32
        %mul3A_320 = arith.muli %add3A_318, %mul3A_319 : i32
        "tpu.region"() ({
          %run_scoped3A = tpu.sem_alloc : memref<!tpu.dma_semaphore, #tpu.memory_space<semaphore_mem>>
          %dma_start3A_323 = tpu.memref_slice %arg3[%mul3A_320] : memref<100000xi32, #tpu.memory_space<hbm>> -> memref<128xi32, #tpu.memory_space<hbm>>
          %dma_start3A_324 = tpu.memref_slice %arg3[%mul3A_320] : memref<100000xi32, #tpu.memory_space<hbm>> -> memref<128xi32, #tpu.memory_space<hbm>>
          tpu.enqueue_dma source(%dma_start3A_324 : memref<128xi32, #tpu.memory_space<hbm>>) target(%arg8 : memref<128xi32, #tpu.memory_space<vmem>>) target_semaphore(%run_scoped3A : memref<!tpu.dma_semaphore, #tpu.memory_space<semaphore_mem>>)
          %dma_wait3A = tpu.memref_slice %arg3[%mul3A_320] : memref<100000xi32, #tpu.memory_space<hbm>> -> memref<128xi32, #tpu.memory_space<hbm>>
          %dma_wait3A_325 = tpu.memref_slice %arg3[%mul3A_320] : memref<100000xi32, #tpu.memory_space<hbm>> -> memref<128xi32, #tpu.memory_space<hbm>>
          tpu.wait_dma2 semaphore(%run_scoped3A : memref<!tpu.dma_semaphore, #tpu.memory_space<semaphore_mem>>) src(%dma_wait3A_325 : memref<128xi32, #tpu.memory_space<hbm>>) dst(%arg8 : memref<128xi32, #tpu.memory_space<vmem>>)
          tpu.yield
        }) : () -> ()
        %dma_start3A = arith.constant 0 : i32
        %dma_start3A_321 = arith.constant 0 : i32
        %dma_start3A_322 = tpu.memref_slice %arg2[%dma_start3A, %dma_start3A_321] : memref<25000x128xf32, #tpu.memory_space<hbm>> -> memref<25000x128xf32, #tpu.memory_space<hbm>>
        tpu.enqueue_indirect_dma source(%dma_start3A_322 : memref<25000x128xf32, #tpu.memory_space<hbm>>) target(%arg15 : memref<128x128xf32, #tpu.memory_space<vmem>>) offsets(%arg8 : memref<128xi32, #tpu.memory_space<vmem>>) semaphore(%arg22 : memref<!tpu.dma_semaphore, #tpu.memory_space<semaphore_mem>>)
      } else {
      }
      %add3A_268 = arith.constant 4 : i32
      %add3A_269 = arith.addi %mul3A_207, %add3A_268 : i32
      %sub3A_270 = arith.constant 3 : i32
      %sub3A_271 = arith.subi %add3A_269, %sub3A_270 : i32
      %ge3A_272 = arith.constant 0 : i32
      %ge3A_273 = arith.cmpi sge, %sub3A_271, %ge3A_272 : i32
      %lt3A_274 = arith.cmpi slt, %sub3A_271, %select_n3A : i32
      %and3A_275 = arith.andi %ge3A_273, %lt3A_274 : i1
      %convert_element_type3A_276 = arith.extui %and3A_275 : i1 to i32
      %cond3A_277 = arith.constant 0 : i32
      %cond3A_278 = arith.cmpi ne, %convert_element_type3A_276, %cond3A_277 : i32
      scf.if %cond3A_278 {
        %dma_wait3A = arith.constant 0 : i32
        %dma_wait3A_313 = arith.constant 0 : i32
        %dma_wait3A_314 = tpu.memref_slice %arg2[%dma_wait3A, %dma_wait3A_313] : memref<25000x128xf32, #tpu.memory_space<hbm>> -> memref<25000x128xf32, #tpu.memory_space<hbm>>
        tpu.wait_indirect_dma semaphore(%arg20 : memref<!tpu.dma_semaphore, #tpu.memory_space<semaphore_mem>>) src(%dma_wait3A_314 : memref<25000x128xf32, #tpu.memory_space<hbm>>) dst(%arg13 : memref<128x128xf32, #tpu.memory_space<vmem>>)
        %add3A_315 = arith.addi %add3A_6, %sub3A_271 : i32
        %mul3A_316 = arith.constant 128 : i32
        %mul3A_317 = arith.muli %add3A_315, %mul3A_316 : i32
        %dma_start3A = arith.constant 0 : i32
        %dma_start3A_318 = tpu.memref_slice %arg4[%mul3A_317, %dma_start3A] : memref<100000x128xf32, #tpu.memory_space<hbm>> -> memref<128x128xf32, #tpu.memory_space<hbm>>
        %dma_start3A_319 = arith.constant 0 : i32
        %dma_start3A_320 = tpu.memref_slice %arg4[%mul3A_317, %dma_start3A_319] : memref<100000x128xf32, #tpu.memory_space<hbm>> -> memref<128x128xf32, #tpu.memory_space<hbm>>
        tpu.enqueue_dma source(%arg13 : memref<128x128xf32, #tpu.memory_space<vmem>>) target(%dma_start3A_320 : memref<128x128xf32, #tpu.memory_space<hbm>>) target_semaphore(%arg27 : memref<!tpu.dma_semaphore, #tpu.memory_space<semaphore_mem>>)
      } else {
      }
      %lt3A_279 = arith.cmpi slt, %add3A_269, %select_n3A : i32
      %convert_element_type3A_280 = arith.extui %lt3A_279 : i1 to i32
      %cond3A_281 = arith.constant 0 : i32
      %cond3A_282 = arith.cmpi ne, %convert_element_type3A_280, %cond3A_281 : i32
      scf.if %cond3A_282 {
        %ge3A_313 = arith.constant 7 : i32
        %ge3A_314 = arith.cmpi sge, %add3A_269, %ge3A_313 : i32
        %convert_element_type3A_315 = arith.extui %ge3A_314 : i1 to i32
        %cond3A_316 = arith.constant 0 : i32
        %cond3A_317 = arith.cmpi ne, %convert_element_type3A_315, %cond3A_316 : i32
        scf.if %cond3A_317 {
          %sub3A_323 = arith.constant 7 : i32
          %sub3A_324 = arith.subi %add3A_269, %sub3A_323 : i32
          %add3A_325 = arith.addi %add3A_6, %sub3A_324 : i32
          %mul3A_326 = arith.constant 128 : i32
          %mul3A_327 = arith.muli %add3A_325, %mul3A_326 : i32
          %dma_wait3A = arith.constant 0 : i32
          %dma_wait3A_328 = tpu.memref_slice %arg4[%mul3A_327, %dma_wait3A] : memref<100000x128xf32, #tpu.memory_space<hbm>> -> memref<128x128xf32, #tpu.memory_space<hbm>>
          %dma_wait3A_329 = arith.constant 0 : i32
          %dma_wait3A_330 = tpu.memref_slice %arg4[%mul3A_327, %dma_wait3A_329] : memref<100000x128xf32, #tpu.memory_space<hbm>> -> memref<128x128xf32, #tpu.memory_space<hbm>>
          tpu.wait_dma2 semaphore(%arg30 : memref<!tpu.dma_semaphore, #tpu.memory_space<semaphore_mem>>) src(%arg16 : memref<128x128xf32, #tpu.memory_space<vmem>>) dst(%dma_wait3A_330 : memref<128x128xf32, #tpu.memory_space<hbm>>)
        } else {
        }
        %add3A_318 = arith.addi %add3A_6, %add3A_269 : i32
        %mul3A_319 = arith.constant 128 : i32
        %mul3A_320 = arith.muli %add3A_318, %mul3A_319 : i32
        "tpu.region"() ({
          %run_scoped3A = tpu.sem_alloc : memref<!tpu.dma_semaphore, #tpu.memory_space<semaphore_mem>>
          %dma_start3A_323 = tpu.memref_slice %arg3[%mul3A_320] : memref<100000xi32, #tpu.memory_space<hbm>> -> memref<128xi32, #tpu.memory_space<hbm>>
          %dma_start3A_324 = tpu.memref_slice %arg3[%mul3A_320] : memref<100000xi32, #tpu.memory_space<hbm>> -> memref<128xi32, #tpu.memory_space<hbm>>
          tpu.enqueue_dma source(%dma_start3A_324 : memref<128xi32, #tpu.memory_space<hbm>>) target(%arg9 : memref<128xi32, #tpu.memory_space<vmem>>) target_semaphore(%run_scoped3A : memref<!tpu.dma_semaphore, #tpu.memory_space<semaphore_mem>>)
          %dma_wait3A = tpu.memref_slice %arg3[%mul3A_320] : memref<100000xi32, #tpu.memory_space<hbm>> -> memref<128xi32, #tpu.memory_space<hbm>>
          %dma_wait3A_325 = tpu.memref_slice %arg3[%mul3A_320] : memref<100000xi32, #tpu.memory_space<hbm>> -> memref<128xi32, #tpu.memory_space<hbm>>
          tpu.wait_dma2 semaphore(%run_scoped3A : memref<!tpu.dma_semaphore, #tpu.memory_space<semaphore_mem>>) src(%dma_wait3A_325 : memref<128xi32, #tpu.memory_space<hbm>>) dst(%arg9 : memref<128xi32, #tpu.memory_space<vmem>>)
          tpu.yield
        }) : () -> ()
        %dma_start3A = arith.constant 0 : i32
        %dma_start3A_321 = arith.constant 0 : i32
        %dma_start3A_322 = tpu.memref_slice %arg2[%dma_start3A, %dma_start3A_321] : memref<25000x128xf32, #tpu.memory_space<hbm>> -> memref<25000x128xf32, #tpu.memory_space<hbm>>
        tpu.enqueue_indirect_dma source(%dma_start3A_322 : memref<25000x128xf32, #tpu.memory_space<hbm>>) target(%arg16 : memref<128x128xf32, #tpu.memory_space<vmem>>) offsets(%arg9 : memref<128xi32, #tpu.memory_space<vmem>>) semaphore(%arg23 : memref<!tpu.dma_semaphore, #tpu.memory_space<semaphore_mem>>)
      } else {
      }
      %add3A_283 = arith.constant 5 : i32
      %add3A_284 = arith.addi %mul3A_207, %add3A_283 : i32
      %sub3A_285 = arith.constant 3 : i32
      %sub3A_286 = arith.subi %add3A_284, %sub3A_285 : i32
      %ge3A_287 = arith.constant 0 : i32
      %ge3A_288 = arith.cmpi sge, %sub3A_286, %ge3A_287 : i32
      %lt3A_289 = arith.cmpi slt, %sub3A_286, %select_n3A : i32
      %and3A_290 = arith.andi %ge3A_288, %lt3A_289 : i1
      %convert_element_type3A_291 = arith.extui %and3A_290 : i1 to i32
      %cond3A_292 = arith.constant 0 : i32
      %cond3A_293 = arith.cmpi ne, %convert_element_type3A_291, %cond3A_292 : i32
      scf.if %cond3A_293 {
        %dma_wait3A = arith.constant 0 : i32
        %dma_wait3A_313 = arith.constant 0 : i32
        %dma_wait3A_314 = tpu.memref_slice %arg2[%dma_wait3A, %dma_wait3A_313] : memref<25000x128xf32, #tpu.memory_space<hbm>> -> memref<25000x128xf32, #tpu.memory_space<hbm>>
        tpu.wait_indirect_dma semaphore(%arg21 : memref<!tpu.dma_semaphore, #tpu.memory_space<semaphore_mem>>) src(%dma_wait3A_314 : memref<25000x128xf32, #tpu.memory_space<hbm>>) dst(%arg14 : memref<128x128xf32, #tpu.memory_space<vmem>>)
        %add3A_315 = arith.addi %add3A_6, %sub3A_286 : i32
        %mul3A_316 = arith.constant 128 : i32
        %mul3A_317 = arith.muli %add3A_315, %mul3A_316 : i32
        %dma_start3A = arith.constant 0 : i32
        %dma_start3A_318 = tpu.memref_slice %arg4[%mul3A_317, %dma_start3A] : memref<100000x128xf32, #tpu.memory_space<hbm>> -> memref<128x128xf32, #tpu.memory_space<hbm>>
        %dma_start3A_319 = arith.constant 0 : i32
        %dma_start3A_320 = tpu.memref_slice %arg4[%mul3A_317, %dma_start3A_319] : memref<100000x128xf32, #tpu.memory_space<hbm>> -> memref<128x128xf32, #tpu.memory_space<hbm>>
        tpu.enqueue_dma source(%arg14 : memref<128x128xf32, #tpu.memory_space<vmem>>) target(%dma_start3A_320 : memref<128x128xf32, #tpu.memory_space<hbm>>) target_semaphore(%arg28 : memref<!tpu.dma_semaphore, #tpu.memory_space<semaphore_mem>>)
      } else {
      }
      %lt3A_294 = arith.cmpi slt, %add3A_284, %select_n3A : i32
      %convert_element_type3A_295 = arith.extui %lt3A_294 : i1 to i32
      %cond3A_296 = arith.constant 0 : i32
      %cond3A_297 = arith.cmpi ne, %convert_element_type3A_295, %cond3A_296 : i32
      scf.if %cond3A_297 {
        %ge3A_313 = arith.constant 7 : i32
        %ge3A_314 = arith.cmpi sge, %add3A_284, %ge3A_313 : i32
        %convert_element_type3A_315 = arith.extui %ge3A_314 : i1 to i32
        %cond3A_316 = arith.constant 0 : i32
        %cond3A_317 = arith.cmpi ne, %convert_element_type3A_315, %cond3A_316 : i32
        scf.if %cond3A_317 {
          %sub3A_323 = arith.constant 7 : i32
          %sub3A_324 = arith.subi %add3A_284, %sub3A_323 : i32
          %add3A_325 = arith.addi %add3A_6, %sub3A_324 : i32
          %mul3A_326 = arith.constant 128 : i32
          %mul3A_327 = arith.muli %add3A_325, %mul3A_326 : i32
          %dma_wait3A = arith.constant 0 : i32
          %dma_wait3A_328 = tpu.memref_slice %arg4[%mul3A_327, %dma_wait3A] : memref<100000x128xf32, #tpu.memory_space<hbm>> -> memref<128x128xf32, #tpu.memory_space<hbm>>
          %dma_wait3A_329 = arith.constant 0 : i32
          %dma_wait3A_330 = tpu.memref_slice %arg4[%mul3A_327, %dma_wait3A_329] : memref<100000x128xf32, #tpu.memory_space<hbm>> -> memref<128x128xf32, #tpu.memory_space<hbm>>
          tpu.wait_dma2 semaphore(%arg31 : memref<!tpu.dma_semaphore, #tpu.memory_space<semaphore_mem>>) src(%arg17 : memref<128x128xf32, #tpu.memory_space<vmem>>) dst(%dma_wait3A_330 : memref<128x128xf32, #tpu.memory_space<hbm>>)
        } else {
        }
        %add3A_318 = arith.addi %add3A_6, %add3A_284 : i32
        %mul3A_319 = arith.constant 128 : i32
        %mul3A_320 = arith.muli %add3A_318, %mul3A_319 : i32
        "tpu.region"() ({
          %run_scoped3A = tpu.sem_alloc : memref<!tpu.dma_semaphore, #tpu.memory_space<semaphore_mem>>
          %dma_start3A_323 = tpu.memref_slice %arg3[%mul3A_320] : memref<100000xi32, #tpu.memory_space<hbm>> -> memref<128xi32, #tpu.memory_space<hbm>>
          %dma_start3A_324 = tpu.memref_slice %arg3[%mul3A_320] : memref<100000xi32, #tpu.memory_space<hbm>> -> memref<128xi32, #tpu.memory_space<hbm>>
          tpu.enqueue_dma source(%dma_start3A_324 : memref<128xi32, #tpu.memory_space<hbm>>) target(%arg10 : memref<128xi32, #tpu.memory_space<vmem>>) target_semaphore(%run_scoped3A : memref<!tpu.dma_semaphore, #tpu.memory_space<semaphore_mem>>)
          %dma_wait3A = tpu.memref_slice %arg3[%mul3A_320] : memref<100000xi32, #tpu.memory_space<hbm>> -> memref<128xi32, #tpu.memory_space<hbm>>
          %dma_wait3A_325 = tpu.memref_slice %arg3[%mul3A_320] : memref<100000xi32, #tpu.memory_space<hbm>> -> memref<128xi32, #tpu.memory_space<hbm>>
          tpu.wait_dma2 semaphore(%run_scoped3A : memref<!tpu.dma_semaphore, #tpu.memory_space<semaphore_mem>>) src(%dma_wait3A_325 : memref<128xi32, #tpu.memory_space<hbm>>) dst(%arg10 : memref<128xi32, #tpu.memory_space<vmem>>)
          tpu.yield
        }) : () -> ()
        %dma_start3A = arith.constant 0 : i32
        %dma_start3A_321 = arith.constant 0 : i32
        %dma_start3A_322 = tpu.memref_slice %arg2[%dma_start3A, %dma_start3A_321] : memref<25000x128xf32, #tpu.memory_space<hbm>> -> memref<25000x128xf32, #tpu.memory_space<hbm>>
        tpu.enqueue_indirect_dma source(%dma_start3A_322 : memref<25000x128xf32, #tpu.memory_space<hbm>>) target(%arg17 : memref<128x128xf32, #tpu.memory_space<vmem>>) offsets(%arg10 : memref<128xi32, #tpu.memory_space<vmem>>) semaphore(%arg24 : memref<!tpu.dma_semaphore, #tpu.memory_space<semaphore_mem>>)
      } else {
      }
      %add3A_298 = arith.constant 6 : i32
      %add3A_299 = arith.addi %mul3A_207, %add3A_298 : i32
      %sub3A_300 = arith.constant 3 : i32
      %sub3A_301 = arith.subi %add3A_299, %sub3A_300 : i32
      %ge3A_302 = arith.constant 0 : i32
      %ge3A_303 = arith.cmpi sge, %sub3A_301, %ge3A_302 : i32
      %lt3A_304 = arith.cmpi slt, %sub3A_301, %select_n3A : i32
      %and3A_305 = arith.andi %ge3A_303, %lt3A_304 : i1
      %convert_element_type3A_306 = arith.extui %and3A_305 : i1 to i32
      %cond3A_307 = arith.constant 0 : i32
      %cond3A_308 = arith.cmpi ne, %convert_element_type3A_306, %cond3A_307 : i32
      scf.if %cond3A_308 {
        %dma_wait3A = arith.constant 0 : i32
        %dma_wait3A_313 = arith.constant 0 : i32
        %dma_wait3A_314 = tpu.memref_slice %arg2[%dma_wait3A, %dma_wait3A_313] : memref<25000x128xf32, #tpu.memory_space<hbm>> -> memref<25000x128xf32, #tpu.memory_space<hbm>>
        tpu.wait_indirect_dma semaphore(%arg22 : memref<!tpu.dma_semaphore, #tpu.memory_space<semaphore_mem>>) src(%dma_wait3A_314 : memref<25000x128xf32, #tpu.memory_space<hbm>>) dst(%arg15 : memref<128x128xf32, #tpu.memory_space<vmem>>)
        %add3A_315 = arith.addi %add3A_6, %sub3A_301 : i32
        %mul3A_316 = arith.constant 128 : i32
        %mul3A_317 = arith.muli %add3A_315, %mul3A_316 : i32
        %dma_start3A = arith.constant 0 : i32
        %dma_start3A_318 = tpu.memref_slice %arg4[%mul3A_317, %dma_start3A] : memref<100000x128xf32, #tpu.memory_space<hbm>> -> memref<128x128xf32, #tpu.memory_space<hbm>>
        %dma_start3A_319 = arith.constant 0 : i32
        %dma_start3A_320 = tpu.memref_slice %arg4[%mul3A_317, %dma_start3A_319] : memref<100000x128xf32, #tpu.memory_space<hbm>> -> memref<128x128xf32, #tpu.memory_space<hbm>>
        tpu.enqueue_dma source(%arg15 : memref<128x128xf32, #tpu.memory_space<vmem>>) target(%dma_start3A_320 : memref<128x128xf32, #tpu.memory_space<hbm>>) target_semaphore(%arg29 : memref<!tpu.dma_semaphore, #tpu.memory_space<semaphore_mem>>)
      } else {
      }
      %lt3A_309 = arith.cmpi slt, %add3A_299, %select_n3A : i32
      %convert_element_type3A_310 = arith.extui %lt3A_309 : i1 to i32
      %cond3A_311 = arith.constant 0 : i32
      %cond3A_312 = arith.cmpi ne, %convert_element_type3A_310, %cond3A_311 : i32
      scf.if %cond3A_312 {
        %ge3A_313 = arith.constant 7 : i32
        %ge3A_314 = arith.cmpi sge, %add3A_299, %ge3A_313 : i32
        %convert_element_type3A_315 = arith.extui %ge3A_314 : i1 to i32
        %cond3A_316 = arith.constant 0 : i32
        %cond3A_317 = arith.cmpi ne, %convert_element_type3A_315, %cond3A_316 : i32
        scf.if %cond3A_317 {
          %sub3A_323 = arith.constant 7 : i32
          %sub3A_324 = arith.subi %add3A_299, %sub3A_323 : i32
          %add3A_325 = arith.addi %add3A_6, %sub3A_324 : i32
          %mul3A_326 = arith.constant 128 : i32
          %mul3A_327 = arith.muli %add3A_325, %mul3A_326 : i32
          %dma_wait3A = arith.constant 0 : i32
          %dma_wait3A_328 = tpu.memref_slice %arg4[%mul3A_327, %dma_wait3A] : memref<100000x128xf32, #tpu.memory_space<hbm>> -> memref<128x128xf32, #tpu.memory_space<hbm>>
          %dma_wait3A_329 = arith.constant 0 : i32
          %dma_wait3A_330 = tpu.memref_slice %arg4[%mul3A_327, %dma_wait3A_329] : memref<100000x128xf32, #tpu.memory_space<hbm>> -> memref<128x128xf32, #tpu.memory_space<hbm>>
          tpu.wait_dma2 semaphore(%arg32 : memref<!tpu.dma_semaphore, #tpu.memory_space<semaphore_mem>>) src(%arg18 : memref<128x128xf32, #tpu.memory_space<vmem>>) dst(%dma_wait3A_330 : memref<128x128xf32, #tpu.memory_space<hbm>>)
        } else {
        }
        %add3A_318 = arith.addi %add3A_6, %add3A_299 : i32
        %mul3A_319 = arith.constant 128 : i32
        %mul3A_320 = arith.muli %add3A_318, %mul3A_319 : i32
        "tpu.region"() ({
          %run_scoped3A = tpu.sem_alloc : memref<!tpu.dma_semaphore, #tpu.memory_space<semaphore_mem>>
          %dma_start3A_323 = tpu.memref_slice %arg3[%mul3A_320] : memref<100000xi32, #tpu.memory_space<hbm>> -> memref<128xi32, #tpu.memory_space<hbm>>
          %dma_start3A_324 = tpu.memref_slice %arg3[%mul3A_320] : memref<100000xi32, #tpu.memory_space<hbm>> -> memref<128xi32, #tpu.memory_space<hbm>>
          tpu.enqueue_dma source(%dma_start3A_324 : memref<128xi32, #tpu.memory_space<hbm>>) target(%arg11 : memref<128xi32, #tpu.memory_space<vmem>>) target_semaphore(%run_scoped3A : memref<!tpu.dma_semaphore, #tpu.memory_space<semaphore_mem>>)
          %dma_wait3A = tpu.memref_slice %arg3[%mul3A_320] : memref<100000xi32, #tpu.memory_space<hbm>> -> memref<128xi32, #tpu.memory_space<hbm>>
          %dma_wait3A_325 = tpu.memref_slice %arg3[%mul3A_320] : memref<100000xi32, #tpu.memory_space<hbm>> -> memref<128xi32, #tpu.memory_space<hbm>>
          tpu.wait_dma2 semaphore(%run_scoped3A : memref<!tpu.dma_semaphore, #tpu.memory_space<semaphore_mem>>) src(%dma_wait3A_325 : memref<128xi32, #tpu.memory_space<hbm>>) dst(%arg11 : memref<128xi32, #tpu.memory_space<vmem>>)
          tpu.yield
        }) : () -> ()
        %dma_start3A = arith.constant 0 : i32
        %dma_start3A_321 = arith.constant 0 : i32
        %dma_start3A_322 = tpu.memref_slice %arg2[%dma_start3A, %dma_start3A_321] : memref<25000x128xf32, #tpu.memory_space<hbm>> -> memref<25000x128xf32, #tpu.memory_space<hbm>>
        tpu.enqueue_indirect_dma source(%dma_start3A_322 : memref<25000x128xf32, #tpu.memory_space<hbm>>) target(%arg18 : memref<128x128xf32, #tpu.memory_space<vmem>>) offsets(%arg11 : memref<128xi32, #tpu.memory_space<vmem>>) semaphore(%arg25 : memref<!tpu.dma_semaphore, #tpu.memory_space<semaphore_mem>>)
      } else {
      }
    }
    %scan3A_11 = arith.constant 4 : i32
    %sub3A = arith.constant 1 : i32
    %sub3A_12 = arith.subi %select_n3A, %sub3A : i32
    %sub3A_13 = arith.constant 1 : i32
    %sub3A_14 = arith.subi %select_n3A, %sub3A_13 : i32
    %sub3A_15 = arith.constant 0 : i32
    %sub3A_16 = arith.subi %sub3A_14, %sub3A_15 : i32
    %jit3A_17 = arith.constant 7 : i32
    %eq3A = arith.constant 0 : i32
    %eq3A_18 = arith.cmpi eq, %jit3A_17, %eq3A : i32
    %jit3A_19 = arith.constant 1 : i32
    %select_n3A_20 = arith.select %eq3A_18, %jit3A_19, %jit3A_17 : i32
    %rem3A = arith.remsi %sub3A_16, %select_n3A_20 : i32
    %ne3A = arith.constant 0 : i32
    %ne3A_21 = arith.cmpi ne, %rem3A, %ne3A : i32
    %lt3A_22 = arith.constant 0 : i32
    %lt3A_23 = arith.cmpi slt, %rem3A, %lt3A_22 : i32
    %lt3A_24 = arith.constant 0 : i32
    %lt3A_25 = arith.cmpi slt, %select_n3A_20, %lt3A_24 : i32
    %ne3A_26 = arith.xori %lt3A_23, %lt3A_25 : i1
    %and3A = arith.andi %ne3A_26, %ne3A_21 : i1
    %add3A_27 = arith.addi %rem3A, %select_n3A_20 : i32
    %select_n3A_28 = arith.select %and3A, %add3A_27, %rem3A : i32
    %sub3A_29 = arith.subi %sub3A_12, %select_n3A_28 : i32
    %ge3A = arith.constant 0 : i32
    %ge3A_30 = arith.cmpi sge, %sub3A_29, %ge3A : i32
    %convert_element_type3A = arith.extui %ge3A_30 : i1 to i32
    %cond3A = arith.constant 0 : i32
    %cond3A_31 = arith.cmpi ne, %convert_element_type3A, %cond3A : i32
    scf.if %cond3A_31 {
      %add3A_205 = arith.addi %add3A_6, %sub3A_29 : i32
      %mul3A_206 = arith.constant 128 : i32
      %mul3A_207 = arith.muli %add3A_205, %mul3A_206 : i32
      %dma_wait3A = arith.constant 0 : i32
      %dma_wait3A_208 = tpu.memref_slice %arg4[%mul3A_207, %dma_wait3A] : memref<100000x128xf32, #tpu.memory_space<hbm>> -> memref<128x128xf32, #tpu.memory_space<hbm>>
      %dma_wait3A_209 = arith.constant 0 : i32
      %dma_wait3A_210 = tpu.memref_slice %arg4[%mul3A_207, %dma_wait3A_209] : memref<100000x128xf32, #tpu.memory_space<hbm>> -> memref<128x128xf32, #tpu.memory_space<hbm>>
      tpu.wait_dma2 semaphore(%arg26 : memref<!tpu.dma_semaphore, #tpu.memory_space<semaphore_mem>>) src(%arg12 : memref<128x128xf32, #tpu.memory_space<vmem>>) dst(%dma_wait3A_210 : memref<128x128xf32, #tpu.memory_space<hbm>>)
    } else {
    }
    %sub3A_32 = arith.constant 1 : i32
    %sub3A_33 = arith.subi %select_n3A, %sub3A_32 : i32
    %sub3A_34 = arith.constant 1 : i32
    %sub3A_35 = arith.subi %select_n3A, %sub3A_34 : i32
    %sub3A_36 = arith.constant 1 : i32
    %sub3A_37 = arith.subi %sub3A_35, %sub3A_36 : i32
    %jit3A_38 = arith.constant 7 : i32
    %eq3A_39 = arith.constant 0 : i32
    %eq3A_40 = arith.cmpi eq, %jit3A_38, %eq3A_39 : i32
    %jit3A_41 = arith.constant 1 : i32
    %select_n3A_42 = arith.select %eq3A_40, %jit3A_41, %jit3A_38 : i32
    %rem3A_43 = arith.remsi %sub3A_37, %select_n3A_42 : i32
    %ne3A_44 = arith.constant 0 : i32
    %ne3A_45 = arith.cmpi ne, %rem3A_43, %ne3A_44 : i32
    %lt3A_46 = arith.constant 0 : i32
    %lt3A_47 = arith.cmpi slt, %rem3A_43, %lt3A_46 : i32
    %lt3A_48 = arith.constant 0 : i32
    %lt3A_49 = arith.cmpi slt, %select_n3A_42, %lt3A_48 : i32
    %ne3A_50 = arith.xori %lt3A_47, %lt3A_49 : i1
    %and3A_51 = arith.andi %ne3A_50, %ne3A_45 : i1
    %add3A_52 = arith.addi %rem3A_43, %select_n3A_42 : i32
    %select_n3A_53 = arith.select %and3A_51, %add3A_52, %rem3A_43 : i32
    %sub3A_54 = arith.subi %sub3A_33, %select_n3A_53 : i32
    %ge3A_55 = arith.constant 0 : i32
    %ge3A_56 = arith.cmpi sge, %sub3A_54, %ge3A_55 : i32
    %convert_element_type3A_57 = arith.extui %ge3A_56 : i1 to i32
    %cond3A_58 = arith.constant 0 : i32
    %cond3A_59 = arith.cmpi ne, %convert_element_type3A_57, %cond3A_58 : i32
    scf.if %cond3A_59 {
      %add3A_205 = arith.addi %add3A_6, %sub3A_54 : i32
      %mul3A_206 = arith.constant 128 : i32
      %mul3A_207 = arith.muli %add3A_205, %mul3A_206 : i32
      %dma_wait3A = arith.constant 0 : i32
      %dma_wait3A_208 = tpu.memref_slice %arg4[%mul3A_207, %dma_wait3A] : memref<100000x128xf32, #tpu.memory_space<hbm>> -> memref<128x128xf32, #tpu.memory_space<hbm>>
      %dma_wait3A_209 = arith.constant 0 : i32
      %dma_wait3A_210 = tpu.memref_slice %arg4[%mul3A_207, %dma_wait3A_209] : memref<100000x128xf32, #tpu.memory_space<hbm>> -> memref<128x128xf32, #tpu.memory_space<hbm>>
      tpu.wait_dma2 semaphore(%arg27 : memref<!tpu.dma_semaphore, #tpu.memory_space<semaphore_mem>>) src(%arg13 : memref<128x128xf32, #tpu.memory_space<vmem>>) dst(%dma_wait3A_210 : memref<128x128xf32, #tpu.memory_space<hbm>>)
    } else {
    }
    %sub3A_60 = arith.constant 1 : i32
    %sub3A_61 = arith.subi %select_n3A, %sub3A_60 : i32
    %sub3A_62 = arith.constant 1 : i32
    %sub3A_63 = arith.subi %select_n3A, %sub3A_62 : i32
    %sub3A_64 = arith.constant 2 : i32
    %sub3A_65 = arith.subi %sub3A_63, %sub3A_64 : i32
    %jit3A_66 = arith.constant 7 : i32
    %eq3A_67 = arith.constant 0 : i32
    %eq3A_68 = arith.cmpi eq, %jit3A_66, %eq3A_67 : i32
    %jit3A_69 = arith.constant 1 : i32
    %select_n3A_70 = arith.select %eq3A_68, %jit3A_69, %jit3A_66 : i32
    %rem3A_71 = arith.remsi %sub3A_65, %select_n3A_70 : i32
    %ne3A_72 = arith.constant 0 : i32
    %ne3A_73 = arith.cmpi ne, %rem3A_71, %ne3A_72 : i32
    %lt3A_74 = arith.constant 0 : i32
    %lt3A_75 = arith.cmpi slt, %rem3A_71, %lt3A_74 : i32
    %lt3A_76 = arith.constant 0 : i32
    %lt3A_77 = arith.cmpi slt, %select_n3A_70, %lt3A_76 : i32
    %ne3A_78 = arith.xori %lt3A_75, %lt3A_77 : i1
    %and3A_79 = arith.andi %ne3A_78, %ne3A_73 : i1
    %add3A_80 = arith.addi %rem3A_71, %select_n3A_70 : i32
    %select_n3A_81 = arith.select %and3A_79, %add3A_80, %rem3A_71 : i32
    %sub3A_82 = arith.subi %sub3A_61, %select_n3A_81 : i32
    %ge3A_83 = arith.constant 0 : i32
    %ge3A_84 = arith.cmpi sge, %sub3A_82, %ge3A_83 : i32
    %convert_element_type3A_85 = arith.extui %ge3A_84 : i1 to i32
    %cond3A_86 = arith.constant 0 : i32
    %cond3A_87 = arith.cmpi ne, %convert_element_type3A_85, %cond3A_86 : i32
    scf.if %cond3A_87 {
      %add3A_205 = arith.addi %add3A_6, %sub3A_82 : i32
      %mul3A_206 = arith.constant 128 : i32
      %mul3A_207 = arith.muli %add3A_205, %mul3A_206 : i32
      %dma_wait3A = arith.constant 0 : i32
      %dma_wait3A_208 = tpu.memref_slice %arg4[%mul3A_207, %dma_wait3A] : memref<100000x128xf32, #tpu.memory_space<hbm>> -> memref<128x128xf32, #tpu.memory_space<hbm>>
      %dma_wait3A_209 = arith.constant 0 : i32
      %dma_wait3A_210 = tpu.memref_slice %arg4[%mul3A_207, %dma_wait3A_209] : memref<100000x128xf32, #tpu.memory_space<hbm>> -> memref<128x128xf32, #tpu.memory_space<hbm>>
      tpu.wait_dma2 semaphore(%arg28 : memref<!tpu.dma_semaphore, #tpu.memory_space<semaphore_mem>>) src(%arg14 : memref<128x128xf32, #tpu.memory_space<vmem>>) dst(%dma_wait3A_210 : memref<128x128xf32, #tpu.memory_space<hbm>>)
    } else {
    }
    %sub3A_88 = arith.constant 1 : i32
    %sub3A_89 = arith.subi %select_n3A, %sub3A_88 : i32
    %sub3A_90 = arith.constant 1 : i32
    %sub3A_91 = arith.subi %select_n3A, %sub3A_90 : i32
    %sub3A_92 = arith.constant 3 : i32
    %sub3A_93 = arith.subi %sub3A_91, %sub3A_92 : i32
    %jit3A_94 = arith.constant 7 : i32
    %eq3A_95 = arith.constant 0 : i32
    %eq3A_96 = arith.cmpi eq, %jit3A_94, %eq3A_95 : i32
    %jit3A_97 = arith.constant 1 : i32
    %select_n3A_98 = arith.select %eq3A_96, %jit3A_97, %jit3A_94 : i32
    %rem3A_99 = arith.remsi %sub3A_93, %select_n3A_98 : i32
    %ne3A_100 = arith.constant 0 : i32
    %ne3A_101 = arith.cmpi ne, %rem3A_99, %ne3A_100 : i32
    %lt3A_102 = arith.constant 0 : i32
    %lt3A_103 = arith.cmpi slt, %rem3A_99, %lt3A_102 : i32
    %lt3A_104 = arith.constant 0 : i32
    %lt3A_105 = arith.cmpi slt, %select_n3A_98, %lt3A_104 : i32
    %ne3A_106 = arith.xori %lt3A_103, %lt3A_105 : i1
    %and3A_107 = arith.andi %ne3A_106, %ne3A_101 : i1
    %add3A_108 = arith.addi %rem3A_99, %select_n3A_98 : i32
    %select_n3A_109 = arith.select %and3A_107, %add3A_108, %rem3A_99 : i32
    %sub3A_110 = arith.subi %sub3A_89, %select_n3A_109 : i32
    %ge3A_111 = arith.constant 0 : i32
    %ge3A_112 = arith.cmpi sge, %sub3A_110, %ge3A_111 : i32
    %convert_element_type3A_113 = arith.extui %ge3A_112 : i1 to i32
    %cond3A_114 = arith.constant 0 : i32
    %cond3A_115 = arith.cmpi ne, %convert_element_type3A_113, %cond3A_114 : i32
    scf.if %cond3A_115 {
      %add3A_205 = arith.addi %add3A_6, %sub3A_110 : i32
      %mul3A_206 = arith.constant 128 : i32
      %mul3A_207 = arith.muli %add3A_205, %mul3A_206 : i32
      %dma_wait3A = arith.constant 0 : i32
      %dma_wait3A_208 = tpu.memref_slice %arg4[%mul3A_207, %dma_wait3A] : memref<100000x128xf32, #tpu.memory_space<hbm>> -> memref<128x128xf32, #tpu.memory_space<hbm>>
      %dma_wait3A_209 = arith.constant 0 : i32
      %dma_wait3A_210 = tpu.memref_slice %arg4[%mul3A_207, %dma_wait3A_209] : memref<100000x128xf32, #tpu.memory_space<hbm>> -> memref<128x128xf32, #tpu.memory_space<hbm>>
      tpu.wait_dma2 semaphore(%arg29 : memref<!tpu.dma_semaphore, #tpu.memory_space<semaphore_mem>>) src(%arg15 : memref<128x128xf32, #tpu.memory_space<vmem>>) dst(%dma_wait3A_210 : memref<128x128xf32, #tpu.memory_space<hbm>>)
    } else {
    }
    %sub3A_116 = arith.constant 1 : i32
    %sub3A_117 = arith.subi %select_n3A, %sub3A_116 : i32
    %sub3A_118 = arith.constant 1 : i32
    %sub3A_119 = arith.subi %select_n3A, %sub3A_118 : i32
    %sub3A_120 = arith.constant 4 : i32
    %sub3A_121 = arith.subi %sub3A_119, %sub3A_120 : i32
    %jit3A_122 = arith.constant 7 : i32
    %eq3A_123 = arith.constant 0 : i32
    %eq3A_124 = arith.cmpi eq, %jit3A_122, %eq3A_123 : i32
    %jit3A_125 = arith.constant 1 : i32
    %select_n3A_126 = arith.select %eq3A_124, %jit3A_125, %jit3A_122 : i32
    %rem3A_127 = arith.remsi %sub3A_121, %select_n3A_126 : i32
    %ne3A_128 = arith.constant 0 : i32
    %ne3A_129 = arith.cmpi ne, %rem3A_127, %ne3A_128 : i32
    %lt3A_130 = arith.constant 0 : i32
    %lt3A_131 = arith.cmpi slt, %rem3A_127, %lt3A_130 : i32
    %lt3A_132 = arith.constant 0 : i32
    %lt3A_133 = arith.cmpi slt, %select_n3A_126, %lt3A_132 : i32
    %ne3A_134 = arith.xori %lt3A_131, %lt3A_133 : i1
    %and3A_135 = arith.andi %ne3A_134, %ne3A_129 : i1
    %add3A_136 = arith.addi %rem3A_127, %select_n3A_126 : i32
    %select_n3A_137 = arith.select %and3A_135, %add3A_136, %rem3A_127 : i32
    %sub3A_138 = arith.subi %sub3A_117, %select_n3A_137 : i32
    %ge3A_139 = arith.constant 0 : i32
    %ge3A_140 = arith.cmpi sge, %sub3A_138, %ge3A_139 : i32
    %convert_element_type3A_141 = arith.extui %ge3A_140 : i1 to i32
    %cond3A_142 = arith.constant 0 : i32
    %cond3A_143 = arith.cmpi ne, %convert_element_type3A_141, %cond3A_142 : i32
    scf.if %cond3A_143 {
      %add3A_205 = arith.addi %add3A_6, %sub3A_138 : i32
      %mul3A_206 = arith.constant 128 : i32
      %mul3A_207 = arith.muli %add3A_205, %mul3A_206 : i32
      %dma_wait3A = arith.constant 0 : i32
      %dma_wait3A_208 = tpu.memref_slice %arg4[%mul3A_207, %dma_wait3A] : memref<100000x128xf32, #tpu.memory_space<hbm>> -> memref<128x128xf32, #tpu.memory_space<hbm>>
      %dma_wait3A_209 = arith.constant 0 : i32
      %dma_wait3A_210 = tpu.memref_slice %arg4[%mul3A_207, %dma_wait3A_209] : memref<100000x128xf32, #tpu.memory_space<hbm>> -> memref<128x128xf32, #tpu.memory_space<hbm>>
      tpu.wait_dma2 semaphore(%arg30 : memref<!tpu.dma_semaphore, #tpu.memory_space<semaphore_mem>>) src(%arg16 : memref<128x128xf32, #tpu.memory_space<vmem>>) dst(%dma_wait3A_210 : memref<128x128xf32, #tpu.memory_space<hbm>>)
    } else {
    }
    %sub3A_144 = arith.constant 1 : i32
    %sub3A_145 = arith.subi %select_n3A, %sub3A_144 : i32
    %sub3A_146 = arith.constant 1 : i32
    %sub3A_147 = arith.subi %select_n3A, %sub3A_146 : i32
    %sub3A_148 = arith.constant 5 : i32
    %sub3A_149 = arith.subi %sub3A_147, %sub3A_148 : i32
    %jit3A_150 = arith.constant 7 : i32
    %eq3A_151 = arith.constant 0 : i32
    %eq3A_152 = arith.cmpi eq, %jit3A_150, %eq3A_151 : i32
    %jit3A_153 = arith.constant 1 : i32
    %select_n3A_154 = arith.select %eq3A_152, %jit3A_153, %jit3A_150 : i32
    %rem3A_155 = arith.remsi %sub3A_149, %select_n3A_154 : i32
    %ne3A_156 = arith.constant 0 : i32
    %ne3A_157 = arith.cmpi ne, %rem3A_155, %ne3A_156 : i32
    %lt3A_158 = arith.constant 0 : i32
    %lt3A_159 = arith.cmpi slt, %rem3A_155, %lt3A_158 : i32
    %lt3A_160 = arith.constant 0 : i32
    %lt3A_161 = arith.cmpi slt, %select_n3A_154, %lt3A_160 : i32
    %ne3A_162 = arith.xori %lt3A_159, %lt3A_161 : i1
    %and3A_163 = arith.andi %ne3A_162, %ne3A_157 : i1
    %add3A_164 = arith.addi %rem3A_155, %select_n3A_154 : i32
    %select_n3A_165 = arith.select %and3A_163, %add3A_164, %rem3A_155 : i32
    %sub3A_166 = arith.subi %sub3A_145, %select_n3A_165 : i32
    %ge3A_167 = arith.constant 0 : i32
    %ge3A_168 = arith.cmpi sge, %sub3A_166, %ge3A_167 : i32
    %convert_element_type3A_169 = arith.extui %ge3A_168 : i1 to i32
    %cond3A_170 = arith.constant 0 : i32
    %cond3A_171 = arith.cmpi ne, %convert_element_type3A_169, %cond3A_170 : i32
    scf.if %cond3A_171 {
      %add3A_205 = arith.addi %add3A_6, %sub3A_166 : i32
      %mul3A_206 = arith.constant 128 : i32
      %mul3A_207 = arith.muli %add3A_205, %mul3A_206 : i32
      %dma_wait3A = arith.constant 0 : i32
      %dma_wait3A_208 = tpu.memref_slice %arg4[%mul3A_207, %dma_wait3A] : memref<100000x128xf32, #tpu.memory_space<hbm>> -> memref<128x128xf32, #tpu.memory_space<hbm>>
      %dma_wait3A_209 = arith.constant 0 : i32
      %dma_wait3A_210 = tpu.memref_slice %arg4[%mul3A_207, %dma_wait3A_209] : memref<100000x128xf32, #tpu.memory_space<hbm>> -> memref<128x128xf32, #tpu.memory_space<hbm>>
      tpu.wait_dma2 semaphore(%arg31 : memref<!tpu.dma_semaphore, #tpu.memory_space<semaphore_mem>>) src(%arg17 : memref<128x128xf32, #tpu.memory_space<vmem>>) dst(%dma_wait3A_210 : memref<128x128xf32, #tpu.memory_space<hbm>>)
    } else {
    }
    %sub3A_172 = arith.constant 1 : i32
    %sub3A_173 = arith.subi %select_n3A, %sub3A_172 : i32
    %sub3A_174 = arith.constant 1 : i32
    %sub3A_175 = arith.subi %select_n3A, %sub3A_174 : i32
    %sub3A_176 = arith.constant 6 : i32
    %sub3A_177 = arith.subi %sub3A_175, %sub3A_176 : i32
    %jit3A_178 = arith.constant 7 : i32
    %eq3A_179 = arith.constant 0 : i32
    %eq3A_180 = arith.cmpi eq, %jit3A_178, %eq3A_179 : i32
    %jit3A_181 = arith.constant 1 : i32
    %select_n3A_182 = arith.select %eq3A_180, %jit3A_181, %jit3A_178 : i32
    %rem3A_183 = arith.remsi %sub3A_177, %select_n3A_182 : i32
    %ne3A_184 = arith.constant 0 : i32
    %ne3A_185 = arith.cmpi ne, %rem3A_183, %ne3A_184 : i32
    %lt3A_186 = arith.constant 0 : i32
    %lt3A_187 = arith.cmpi slt, %rem3A_183, %lt3A_186 : i32
    %lt3A_188 = arith.constant 0 : i32
    %lt3A_189 = arith.cmpi slt, %select_n3A_182, %lt3A_188 : i32
    %ne3A_190 = arith.xori %lt3A_187, %lt3A_189 : i1
    %and3A_191 = arith.andi %ne3A_190, %ne3A_185 : i1
    %add3A_192 = arith.addi %rem3A_183, %select_n3A_182 : i32
    %select_n3A_193 = arith.select %and3A_191, %add3A_192, %rem3A_183 : i32
    %sub3A_194 = arith.subi %sub3A_173, %select_n3A_193 : i32
    %ge3A_195 = arith.constant 0 : i32
    %ge3A_196 = arith.cmpi sge, %sub3A_194, %ge3A_195 : i32
    %convert_element_type3A_197 = arith.extui %ge3A_196 : i1 to i32
    %cond3A_198 = arith.constant 0 : i32
    %cond3A_199 = arith.cmpi ne, %convert_element_type3A_197, %cond3A_198 : i32
    scf.if %cond3A_199 {
      %add3A_205 = arith.addi %add3A_6, %sub3A_194 : i32
      %mul3A_206 = arith.constant 128 : i32
      %mul3A_207 = arith.muli %add3A_205, %mul3A_206 : i32
      %dma_wait3A = arith.constant 0 : i32
      %dma_wait3A_208 = tpu.memref_slice %arg4[%mul3A_207, %dma_wait3A] : memref<100000x128xf32, #tpu.memory_space<hbm>> -> memref<128x128xf32, #tpu.memory_space<hbm>>
      %dma_wait3A_209 = arith.constant 0 : i32
      %dma_wait3A_210 = tpu.memref_slice %arg4[%mul3A_207, %dma_wait3A_209] : memref<100000x128xf32, #tpu.memory_space<hbm>> -> memref<128x128xf32, #tpu.memory_space<hbm>>
      tpu.wait_dma2 semaphore(%arg32 : memref<!tpu.dma_semaphore, #tpu.memory_space<semaphore_mem>>) src(%arg18 : memref<128x128xf32, #tpu.memory_space<vmem>>) dst(%dma_wait3A_210 : memref<128x128xf32, #tpu.memory_space<hbm>>)
    } else {
    }
    %eq3A_200 = arith.constant 31 : i32
    %eq3A_201 = arith.cmpi eq, %add3A, %eq3A_200 : i32
    %convert_element_type3A_202 = arith.extui %eq3A_201 : i1 to i32
    %cond3A_203 = arith.constant 0 : i32
    %cond3A_204 = arith.cmpi ne, %convert_element_type3A_202, %cond3A_203 : i32
    scf.if %cond3A_204 {
      %broadcast_in_dim3A = arith.constant 0 : i32
      %broadcast_in_dim3A_205 = vector.broadcast %broadcast_in_dim3A : i32 to vector<16xi32>
      %swap3A = arith.constant 0 : index
      %swap3A_206 = tpu.vector_load %arg5[%swap3A] {strides = array<i32>} : memref<128xi32, #tpu.memory_space<vmem>>, vector<16xi32>,
      %swap3A_207 = vector.shape_cast %swap3A_206 : vector<16xi32> to vector<16xi32>
      %swap3A_208 = vector.shape_cast %broadcast_in_dim3A_205 : vector<16xi32> to vector<16xi32>
      tpu.vector_store %arg5[%swap3A], %swap3A_208 {strides = array<i32>} : memref<128xi32, #tpu.memory_space<vmem>>, vector<16xi32>,
      %broadcast_in_dim3A_209 = arith.constant 0 : i32
      %broadcast_in_dim3A_210 = vector.broadcast %broadcast_in_dim3A_209 : i32 to vector<16xi32>
      %swap3A_211 = arith.constant 16 : index
      %swap3A_212 = tpu.vector_load %arg5[%swap3A_211] {strides = array<i32>} : memref<128xi32, #tpu.memory_space<vmem>>, vector<16xi32>,
      %swap3A_213 = vector.shape_cast %swap3A_212 : vector<16xi32> to vector<16xi32>
      %swap3A_214 = vector.shape_cast %broadcast_in_dim3A_210 : vector<16xi32> to vector<16xi32>
      tpu.vector_store %arg5[%swap3A_211], %swap3A_214 {strides = array<i32>} : memref<128xi32, #tpu.memory_space<vmem>>, vector<16xi32>,
      %broadcast_in_dim3A_215 = arith.constant 0 : i32
      %broadcast_in_dim3A_216 = vector.broadcast %broadcast_in_dim3A_215 : i32 to vector<16xi32>
      %swap3A_217 = arith.constant 32 : index
      %swap3A_218 = tpu.vector_load %arg5[%swap3A_217] {strides = array<i32>} : memref<128xi32, #tpu.memory_space<vmem>>, vector<16xi32>,
      %swap3A_219 = vector.shape_cast %swap3A_218 : vector<16xi32> to vector<16xi32>
      %swap3A_220 = vector.shape_cast %broadcast_in_dim3A_216 : vector<16xi32> to vector<16xi32>
      tpu.vector_store %arg5[%swap3A_217], %swap3A_220 {strides = array<i32>} : memref<128xi32, #tpu.memory_space<vmem>>, vector<16xi32>,
      %broadcast_in_dim3A_221 = arith.constant 0 : i32
      %broadcast_in_dim3A_222 = vector.broadcast %broadcast_in_dim3A_221 : i32 to vector<16xi32>
      %swap3A_223 = arith.constant 48 : index
      %swap3A_224 = tpu.vector_load %arg5[%swap3A_223] {strides = array<i32>} : memref<128xi32, #tpu.memory_space<vmem>>, vector<16xi32>,
      %swap3A_225 = vector.shape_cast %swap3A_224 : vector<16xi32> to vector<16xi32>
      %swap3A_226 = vector.shape_cast %broadcast_in_dim3A_222 : vector<16xi32> to vector<16xi32>
      tpu.vector_store %arg5[%swap3A_223], %swap3A_226 {strides = array<i32>} : memref<128xi32, #tpu.memory_space<vmem>>, vector<16xi32>,
      %broadcast_in_dim3A_227 = arith.constant 0 : i32
      %broadcast_in_dim3A_228 = vector.broadcast %broadcast_in_dim3A_227 : i32 to vector<16xi32>
      %swap3A_229 = arith.constant 64 : index
      %swap3A_230 = tpu.vector_load %arg5[%swap3A_229] {strides = array<i32>} : memref<128xi32, #tpu.memory_space<vmem>>, vector<16xi32>,
      %swap3A_231 = vector.shape_cast %swap3A_230 : vector<16xi32> to vector<16xi32>
      %swap3A_232 = vector.shape_cast %broadcast_in_dim3A_228 : vector<16xi32> to vector<16xi32>
      tpu.vector_store %arg5[%swap3A_229], %swap3A_232 {strides = array<i32>} : memref<128xi32, #tpu.memory_space<vmem>>, vector<16xi32>,
      %broadcast_in_dim3A_233 = arith.constant 0 : i32
      %broadcast_in_dim3A_234 = vector.broadcast %broadcast_in_dim3A_233 : i32 to vector<16xi32>
      %swap3A_235 = arith.constant 80 : index
      %swap3A_236 = tpu.vector_load %arg5[%swap3A_235] {strides = array<i32>} : memref<128xi32, #tpu.memory_space<vmem>>, vector<16xi32>,
      %swap3A_237 = vector.shape_cast %swap3A_236 : vector<16xi32> to vector<16xi32>
      %swap3A_238 = vector.shape_cast %broadcast_in_dim3A_234 : vector<16xi32> to vector<16xi32>
      tpu.vector_store %arg5[%swap3A_235], %swap3A_238 {strides = array<i32>} : memref<128xi32, #tpu.memory_space<vmem>>, vector<16xi32>,
      %broadcast_in_dim3A_239 = arith.constant 0 : i32
      %broadcast_in_dim3A_240 = vector.broadcast %broadcast_in_dim3A_239 : i32 to vector<16xi32>
      %swap3A_241 = arith.constant 96 : index
      %swap3A_242 = tpu.vector_load %arg5[%swap3A_241] {strides = array<i32>} : memref<128xi32, #tpu.memory_space<vmem>>, vector<16xi32>,
      %swap3A_243 = vector.shape_cast %swap3A_242 : vector<16xi32> to vector<16xi32>
      %swap3A_244 = vector.shape_cast %broadcast_in_dim3A_240 : vector<16xi32> to vector<16xi32>
      tpu.vector_store %arg5[%swap3A_241], %swap3A_244 {strides = array<i32>} : memref<128xi32, #tpu.memory_space<vmem>>, vector<16xi32>,
      %broadcast_in_dim3A_245 = arith.constant 0 : i32
      %broadcast_in_dim3A_246 = vector.broadcast %broadcast_in_dim3A_245 : i32 to vector<16xi32>
      %swap3A_247 = arith.constant 112 : index
      %swap3A_248 = tpu.vector_load %arg5[%swap3A_247] {strides = array<i32>} : memref<128xi32, #tpu.memory_space<vmem>>, vector<16xi32>,
      %swap3A_249 = vector.shape_cast %swap3A_248 : vector<16xi32> to vector<16xi32>
      %swap3A_250 = vector.shape_cast %broadcast_in_dim3A_246 : vector<16xi32> to vector<16xi32>
      tpu.vector_store %arg5[%swap3A_247], %swap3A_250 {strides = array<i32>} : memref<128xi32, #tpu.memory_space<vmem>>, vector<16xi32>,
      "tpu.region"() ({
        %run_scoped3A = tpu.sem_alloc : memref<!tpu.dma_semaphore, #tpu.memory_space<semaphore_mem>>
        %dma_start3A_255 = arith.constant 0 : i32
        %dma_start3A_256 = tpu.memref_slice %arg5[%dma_start3A_255] : memref<128xi32, #tpu.memory_space<vmem>> -> memref<32xi32, #tpu.memory_space<vmem>>
        %dma_start3A_257 = arith.constant 99968 : i32
        %dma_start3A_258 = tpu.memref_slice %arg3[%dma_start3A_257] : memref<100000xi32, #tpu.memory_space<hbm>> -> memref<32xi32, #tpu.memory_space<hbm>>
        %dma_start3A_259 = arith.constant 0 : i32
        %dma_start3A_260 = tpu.memref_slice %arg5[%dma_start3A_259] : memref<128xi32, #tpu.memory_space<vmem>> -> memref<32xi32, #tpu.memory_space<vmem>>
        %dma_start3A_261 = arith.constant 99968 : i32
        %dma_start3A_262 = tpu.memref_slice %arg3[%dma_start3A_261] : memref<100000xi32, #tpu.memory_space<hbm>> -> memref<32xi32, #tpu.memory_space<hbm>>
        tpu.enqueue_dma source(%dma_start3A_262 : memref<32xi32, #tpu.memory_space<hbm>>) target(%dma_start3A_260 : memref<32xi32, #tpu.memory_space<vmem>>) target_semaphore(%run_scoped3A : memref<!tpu.dma_semaphore, #tpu.memory_space<semaphore_mem>>)
        %dma_wait3A_263 = arith.constant 0 : i32
        %dma_wait3A_264 = tpu.memref_slice %arg5[%dma_wait3A_263] : memref<128xi32, #tpu.memory_space<vmem>> -> memref<32xi32, #tpu.memory_space<vmem>>
        %dma_wait3A_265 = arith.constant 99968 : i32
        %dma_wait3A_266 = tpu.memref_slice %arg3[%dma_wait3A_265] : memref<100000xi32, #tpu.memory_space<hbm>> -> memref<32xi32, #tpu.memory_space<hbm>>
        %dma_wait3A_267 = arith.constant 0 : i32
        %dma_wait3A_268 = tpu.memref_slice %arg5[%dma_wait3A_267] : memref<128xi32, #tpu.memory_space<vmem>> -> memref<32xi32, #tpu.memory_space<vmem>>
        %dma_wait3A_269 = arith.constant 99968 : i32
        %dma_wait3A_270 = tpu.memref_slice %arg3[%dma_wait3A_269] : memref<100000xi32, #tpu.memory_space<hbm>> -> memref<32xi32, #tpu.memory_space<hbm>>
        tpu.wait_dma2 semaphore(%run_scoped3A : memref<!tpu.dma_semaphore, #tpu.memory_space<semaphore_mem>>) src(%dma_wait3A_270 : memref<32xi32, #tpu.memory_space<hbm>>) dst(%dma_wait3A_268 : memref<32xi32, #tpu.memory_space<vmem>>)
        tpu.yield
      }) : () -> ()
      %dma_start3A = arith.constant 0 : i32
      %dma_start3A_251 = arith.constant 0 : i32
      %dma_start3A_252 = tpu.memref_slice %arg2[%dma_start3A, %dma_start3A_251] : memref<25000x128xf32, #tpu.memory_space<hbm>> -> memref<25000x128xf32, #tpu.memory_space<hbm>>
      tpu.enqueue_indirect_dma source(%dma_start3A_252 : memref<25000x128xf32, #tpu.memory_space<hbm>>) target(%arg12 : memref<128x128xf32, #tpu.memory_space<vmem>>) offsets(%arg5 : memref<128xi32, #tpu.memory_space<vmem>>) semaphore(%arg19 : memref<!tpu.dma_semaphore, #tpu.memory_space<semaphore_mem>>)
      %dma_wait3A = arith.constant 0 : i32
      %dma_wait3A_253 = arith.constant 0 : i32
      %dma_wait3A_254 = tpu.memref_slice %arg2[%dma_wait3A, %dma_wait3A_253] : memref<25000x128xf32, #tpu.memory_space<hbm>> -> memref<25000x128xf32, #tpu.memory_space<hbm>>
      tpu.wait_indirect_dma semaphore(%arg19 : memref<!tpu.dma_semaphore, #tpu.memory_space<semaphore_mem>>) src(%dma_wait3A_254 : memref<25000x128xf32, #tpu.memory_space<hbm>>) dst(%arg12 : memref<128x128xf32, #tpu.memory_space<vmem>>)
      "tpu.region"() ({
        %run_scoped3A = tpu.sem_alloc : memref<!tpu.dma_semaphore, #tpu.memory_space<semaphore_mem>>
        %dma_start3A_255 = arith.constant 0 : i32
        %dma_start3A_256 = arith.constant 0 : i32
        %dma_start3A_257 = tpu.memref_slice %arg12[%dma_start3A_255, %dma_start3A_256] : memref<128x128xf32, #tpu.memory_space<vmem>> -> memref<32x128xf32, #tpu.memory_space<vmem>>
        %dma_start3A_258 = arith.constant 99968 : i32
        %dma_start3A_259 = arith.constant 0 : i32
        %dma_start3A_260 = tpu.memref_slice %arg4[%dma_start3A_258, %dma_start3A_259] : memref<100000x128xf32, #tpu.memory_space<hbm>> -> memref<32x128xf32, #tpu.memory_space<hbm>>
        %dma_start3A_261 = arith.constant 99968 : i32
        %dma_start3A_262 = arith.constant 0 : i32
        %dma_start3A_263 = tpu.memref_slice %arg4[%dma_start3A_261, %dma_start3A_262] : memref<100000x128xf32, #tpu.memory_space<hbm>> -> memref<32x128xf32, #tpu.memory_space<hbm>>
        %dma_start3A_264 = arith.constant 0 : i32
        %dma_start3A_265 = arith.constant 0 : i32
        %dma_start3A_266 = tpu.memref_slice %arg12[%dma_start3A_264, %dma_start3A_265] : memref<128x128xf32, #tpu.memory_space<vmem>> -> memref<32x128xf32, #tpu.memory_space<vmem>>
        tpu.enqueue_dma source(%dma_start3A_266 : memref<32x128xf32, #tpu.memory_space<vmem>>) target(%dma_start3A_263 : memref<32x128xf32, #tpu.memory_space<hbm>>) target_semaphore(%run_scoped3A : memref<!tpu.dma_semaphore, #tpu.memory_space<semaphore_mem>>)
        %dma_wait3A_267 = arith.constant 0 : i32
        %dma_wait3A_268 = arith.constant 0 : i32
        %dma_wait3A_269 = tpu.memref_slice %arg12[%dma_wait3A_267, %dma_wait3A_268] : memref<128x128xf32, #tpu.memory_space<vmem>> -> memref<32x128xf32, #tpu.memory_space<vmem>>
        %dma_wait3A_270 = arith.constant 99968 : i32
        %dma_wait3A_271 = arith.constant 0 : i32
        %dma_wait3A_272 = tpu.memref_slice %arg4[%dma_wait3A_270, %dma_wait3A_271] : memref<100000x128xf32, #tpu.memory_space<hbm>> -> memref<32x128xf32, #tpu.memory_space<hbm>>
        %dma_wait3A_273 = arith.constant 99968 : i32
        %dma_wait3A_274 = arith.constant 0 : i32
        %dma_wait3A_275 = tpu.memref_slice %arg4[%dma_wait3A_273, %dma_wait3A_274] : memref<100000x128xf32, #tpu.memory_space<hbm>> -> memref<32x128xf32, #tpu.memory_space<hbm>>
        %dma_wait3A_276 = arith.constant 0 : i32
        %dma_wait3A_277 = arith.constant 0 : i32
        %dma_wait3A_278 = tpu.memref_slice %arg12[%dma_wait3A_276, %dma_wait3A_277] : memref<128x128xf32, #tpu.memory_space<vmem>> -> memref<32x128xf32, #tpu.memory_space<vmem>>
        tpu.wait_dma2 semaphore(%run_scoped3A : memref<!tpu.dma_semaphore, #tpu.memory_space<semaphore_mem>>) src(%dma_wait3A_278 : memref<32x128xf32, #tpu.memory_space<vmem>>) dst(%dma_wait3A_275 : memref<32x128xf32, #tpu.memory_space<hbm>>)
        tpu.yield
      }) : () -> ()
    } else {
    }
    return
  }
}

</mosaic_0001>

<sc_bundles>
// kernel: kernel.3.cloned.1.call-start
scs
__scs_entry_jumppad:
0x0: {  	(pc) =	sbr.rel $0x88, $3  }
0x1: {  	(tag) =	ssettag $0x0;
	lr =	simm.s32 $0x1  }
0x2: {  	[smem:$0x3F9D] =	sst lr;
	_ =	strace $0xD0000000  }
0x3: {  	_ = 	snop  }
0x4: {  	_ = 	snop  }
0x5: {  	_ = 	snop  }
0x6: {  	_ = 	snop  }
0x7: {  	_ = 	snop  }
__scs_overlays_trampoline_lowered:
0x8: {  	[smem:$0x3FAC] =	sst s0  }
0x9: {  	[smem:$0x3FAD] =	sst s1  }
0xa: {  	[smem:$0x3FAE] =	sst s2  }
0xb: {  	[smem:$0x3FAF] =	sst s3  }
0xc: {  	[smem:$0x3FB0] =	sst s4  }
0xd: {  	[smem:$0x3FB1] =	sst s5  }
0xe: {  	[smem:$0x3FB2] =	sst s6  }
0xf: {  	[smem:$0x3FB3] =	sst s7  }
0x10: {  	[smem:$0x3FB4] =	sst s8  }
0x11: {  	[smem:$0x3FB5] =	sst s9;
	s0 =	simm.s32 @!p0 $0x0  }
0x12: {  	s1 =	sld [smem:$0x3F9B];
	s0 =	simm.s32 @p0 $0x1  }
0x13: {  	[smem:$0x3FB6] =	sst s0;
	s0 =	simm.s32 @!p1 $0x0  }
0x14: {  	s2 =	sld [smem:$0x3F9A];
	s0 =	simm.s32 @p1 $0x1  }
0x15: {  	[smem:$0x3FB7] =	sst s0;
	s0 =	simm.s32 @!p2 $0x0  }
0x16: {  	s3 =	sld [smem:$0x3FDB];
	s0 =	simm.s32 @p2 $0x1  }
0x17: {  	s4 =	simm.s32 $0x1BF5;
	[smem:$0x3FB9] =	sst s0  }
0x18: {  	s0 =	sld [smem:$0x3F9C];
	_ =	swait.ge [sflag:s4], $0x0  }
0x19: {  	s7 =	sld [smem:$0x3F9D]  }
0x1a: {  	s8 =	sadd.s32 $0xFFFFE003, lr  }
0x1b: {  	s9 =	sadd.s32 $0xFFFFFEF7, lr;
	s5 =	simm.s32 $0xFFFFFFFF;
	p2 =	slt.u32 s8, $0xFFFFF086  }
0x1c: {  	p1 =	slt.u32 s9, $0xF7A;
	s5 =	simm.s32 @!p2 $0x0  }
0x1d: {  	s5 =	simm.s32 @p1 $0x1;
	p0 =	seq.s32 s7, s2  }
0x1e: {  	s7 =	smul.u32 @!p0 $0xF7A, s2;
	p2 =	seq.s32 @!p0 s5, $0x0  }
0x1f: {  	s9 =	smul.u32 $0xF7A, s1;
	s8 =	simm.s32 @!p0 $0x1BF5;
	p2 =	por !p2, p0  }
0x20: {  	[sflag:s8] =	ssyncset.s32 @!p0 $0xFFFFF086;
	s6 =	sadd.s32 @!p0 s3, s7;
	s7 =	simm.s32 @!p0 $0x108  }
0x21: {  	s3 =	sadd.s32 s3, s9;
	s6 =	sadd.s32 @!p0 $0x88, s6;
	s7 =	simm.s32 @p2 $0x1082  }
0x22: {  	[simem:s7], [sflag:s8] =	dma.local @!p0 [hbm:s6], $0xF7A  }
0x23: {  	s9 =	sor.u32 $0xD0000000, s2;
	s6 =	simm.s32 $0x108;
	_ =	swait.ge @!p0 [sflag:s8], $0x0  }
0x24: {  	s3 =	sadd.s32 $0x88, s3;
	s6 =	simm.s32 @!p1 $0x1082;
	[sflag:s4] =	ssyncset.s32 $0xFFFFF086  }
0x25: {  	[simem:s6], [sflag:s4] =	dma.local [hbm:s3], $0xF7A  }
0x26: {  	[smem:$0x3F9D] =	sst s1;
	(tag) =	ssettag s2;
	_ =	strace s9  }
0x27: {  	s1 =	sld [smem:$0x3FAD]  }
0x28: {  	s2 =	sld [smem:$0x3FAE]  }
0x29: {  	s4 =	sld [smem:$0x3FB0]  }
0x2a: {  	p0 =	seq.s32 s5, $0x0;
	s5 =	sld [smem:$0x3FB1]  }
0x2b: {  	s6 =	sld [smem:$0x3FB2]  }
0x2c: {  	s7 =	sld [smem:$0x3FB3]  }
0x2d: {  	s3 =	simm.s32 $0x108;
	s8 =	sld [smem:$0x3FB4]  }
0x2e: {  	s3 =	simm.s32 @!p0 $0x1082;
	s9 =	sld [smem:$0x3FB5]  }
0x2f: {  	lr =	sadd.s32 s0, s3;
	s0 =	sld [smem:$0x3FAC]  }
0x30: {  	s3 =	sld [smem:$0x3FAF]  }
0x31: {  	[smem:$0x3FB8] =	sst s10  }
0x32: {  	s10 =	sld [smem:$0x3FB6];
	_ =	sdelay $0x3  }
0x33: {  	p0 =	seq.s32 s10, $0x1;
	s10 =	sld [smem:$0x3FB8];
	_ =	sdelay $0x3  }
0x34: {  	[smem:$0x3FB8] =	sst s10  }
0x35: {  	s10 =	sld [smem:$0x3FB7];
	_ =	sdelay $0x3  }
0x36: {  	p1 =	seq.s32 s10, $0x1;
	s10 =	sld [smem:$0x3FB8];
	_ =	sdelay $0x3  }
0x37: {  	[smem:$0x3FB8] =	sst s10  }
0x38: {  	s10 =	sld [smem:$0x3FB9]  }
0x39: {  	_ = 	snop;
	(pc) =	sbr.ind lr, $3  }
0x3a: {  	_ = 	snop  }
0x3b: {  	_ = 	snop  }
0x3c: {  	p2 =	seq.s32 s10, $0x1;
	s10 =	sld [smem:$0x3FB8]  }
0x3d: {  	_ =	shalt  }
0x3e: {  	_ =	shalt  }
0x3f: {  	_ =	shalt  }
0x40: {  	_ =	shalt  }
0x41: {  	_ =	shalt  }
0x42: {  	_ =	shalt  }
0x43: {  	_ =	shalt  }
0x44: {  	_ =	shalt  }
0x45: {  	_ =	shalt  }
0x46: {  	_ =	shalt  }
0x47: {  	_ =	shalt  }
0x48: {  	_ =	shalt  }
0x49: {  	_ =	shalt  }
0x4a: {  	_ =	shalt  }
0x4b: {  	_ =	shalt  }
0x4c: {  	_ =	shalt  }
0x4d: {  	_ =	shalt  }
0x4e: {  	_ =	shalt  }
0x4f: {  	_ =	shalt  }
0x50: {  	_ =	shalt  }
0x51: {  	_ =	shalt  }
0x52: {  	_ =	shalt  }
0x53: {  	_ =	shalt  }
0x54: {  	_ =	shalt  }
0x55: {  	_ =	shalt  }
0x56: {  	_ =	shalt  }
0x57: {  	_ =	shalt  }
0x58: {  	_ =	shalt  }
0x59: {  	_ =	shalt  }
0x5a: {  	_ =	shalt  }
0x5b: {  	_ =	shalt  }
0x5c: {  	_ =	shalt  }
0x5d: {  	_ =	shalt  }
0x5e: {  	_ =	shalt  }
0x5f: {  	_ =	shalt  }
0x60: {  	_ =	shalt  }
0x61: {  	_ =	shalt  }
0x62: {  	_ =	shalt  }
0x63: {  	_ =	shalt  }
0x64: {  	_ =	shalt  }
0x65: {  	_ =	shalt  }
0x66: {  	_ =	shalt  }
0x67: {  	_ =	shalt  }
0x68: {  	_ =	shalt  }
0x69: {  	_ =	shalt  }
0x6a: {  	_ =	shalt  }
0x6b: {  	_ =	shalt  }
0x6c: {  	_ =	shalt  }
0x6d: {  	_ =	shalt  }
0x6e: {  	_ =	shalt  }
0x6f: {  	_ =	shalt  }
0x70: {  	_ =	shalt  }
0x71: {  	_ =	shalt  }
0x72: {  	_ =	shalt  }
0x73: {  	_ =	shalt  }
0x74: {  	_ =	shalt  }
0x75: {  	_ =	shalt  }
0x76: {  	_ =	shalt  }
0x77: {  	_ =	shalt  }
0x78: {  	_ =	shalt  }
0x79: {  	_ =	shalt  }
0x7a: {  	_ =	shalt  }
0x7b: {  	_ =	shalt  }
0x7c: {  	_ =	shalt  }
0x7d: {  	_ =	shalt  }
0x7e: {  	_ =	shalt  }
0x7f: {  	_ =	shalt  }
0x80: {  	_ =	shalt  }
0x81: {  	_ =	shalt  }
0x82: {  	_ =	shalt  }
0x83: {  	_ =	shalt  }
0x84: {  	_ =	shalt  }
0x85: {  	_ =	shalt  }
0x86: {  	_ =	shalt  }
0x87: {  	_ =	shalt  }
.Lfunc_end0:
.L_simem_size_0:
called_computation_lowered:
.L_overlay_start_0:
0x88: {  	s2 =	sld [smem:$0x3FD9]  }
0x89: {  	s3 =	sld [smem:$0x3FFE];
	_ =	sdelay $0x1  }
0x8a: {  	s1 =	srdreg.scid  }
0x8b: {  	s0 =	sand.u32 $0x1, s1  }
0x8c: {  	s15 =	sshll.u32 s0, $0xA;
	s2 =	sadd.s32 s3, s2  }
0x8d: {  	s2 =	sadd.s32 s2, s15  }
0x8e: {  	[smem:$0x3FC4] =	sst s2  }
0x8f: {  	_ = 	snop  }
0x90: {  	s2 =	sld [smem:$0x3FD0];
	_ =	sdelay $0x1  }
0x91: {  	s16 =	sld [smem:$0x3FC8]  }
0x92: {  	s5 =	simm.s32 $0xA;
	s6 =	simm.s32 $0x10;
	s4 =	sld [smem:$0x3FC6]  }
0x93: {  	[smem:s6], [sflag:s5] =	dma.local [hbm:s2], $0x1  }
0x94: {  	_ =	swait.eq [sflag:s5], $0x1  }
0x95: {  	[sflag:s5] =	ssyncset.done $0x0  }
0x96: {  	[sflag:s5] =	ssyncadd.s32 $0xFFFFFFFF  }
0x97: {  	s17 =	sld [smem:$0x11];
	(tm) =	ssettm $0x1  }
0x98: {  	s18 =	sld [smem:$0x3FFB];
	_ =	sdelay $0x3  }
0x99: {  	_ =	strace s18  }
0x9a: {  	s5 =	sld [smem:$0x3FFC];
	_ =	sdelay $0x3  }
0x9b: {  	_ =	strace s5  }
0x9c: {  	s5 =	sld [smem:$0x3FFD];
	_ =	sdelay $0x3  }
0x9d: {  	_ =	strace s5  }
0x9e: {  	_ =	strace $0x8FFFFFFF  }
0x9f: {  	s19 =	sld [smem:$0x3FDB];
	_ =	sdelay $0x1  }
0xa0: {  	s20 =	simm.s32 $_scs_section_size  }
0xa1: {  	s7 =	simm.s32 $_size__tile_overlayer_lowered;
	s8 =	simm.s32 $_tile_overlayer_lowered  }
0xa2: {  	s23 =	simm.s32 $0x1BFF;
	s22 =	sshll.u32 s8, $0x1;
	s5 =	sadd.s32 s20, s19  }
0xa3: {  	s9 =	simm.s32 $0x0;
	s21 =	sshll.u32 s7, $0x1;
	s7 =	sadd.s32 s22, s5  }
0xa4: {  	[timem:s9], [sflag:s23] =	dma.local [hbm:s7], s21  }
0xa5: {  	_ =	swait.ge [sflag:s23], s21  }
0xa6: {  	s6 =	ssub.s32 $0x0, s21;
	[sflag:s23] =	ssyncset.done $0x0  }
0xa7: {  	[sflag:s23] =	ssyncadd.s32 s6;
	_ =	sdelay $0x1  }
0xa8: {  	s24 =	simm.s32 $0x1B8B  }
0xa9: {  	_ =	swait.ge [sflag:s24], $0x1  }
0xaa: {  	[sflag:s24] =	ssyncset.done $0x0  }
0xab: {  	s25 =	simm.s32 $0x1B8E;
	[sflag:s24] =	ssyncadd.s32 $0xFFFFFFFF  }
0xac: {  	s26 =	simm.s32 $execute0_lowered;
	[smem:$0x3FD2] =	sst s25  }
0xad: {  	s6 =	sshll.u32 s26, $0x1;
	_ =	strace $0x80000046;
	[dreg:$0x1] =	wrdreg $0xFFFFFFFF  }
0xae: {  	s28 =	simm.s32 $_size_execute0_lowered;
	s5 =	sadd.s32 s5, s6;
	[dreg:$0x0] =	wrdreg $0x0  }
0xaf: {  	s6 =	sshll.u32 s28, $0x1;
	[dreg:$0x2] =	wrdreg s5  }
0xb0: {  	[dreg:$0x3] =	wrdreg s6  }
0xb1: {  	[dreg:$0x4] =	wrdreg $0xC0  }
0xb2: {  	_ =	task [dreg:s9], $0x5FFFF  }
0xb3: {  	[dreg:$0x1] =	wrdreg $0xFFFFFFFF  }
0xb4: {  	[dreg:$0x0] =	wrdreg $0x60  }
0xb5: {  	[dreg:$0x2] =	wrdreg s16  }
0xb6: {  	[dreg:$0x3] =	wrdreg s4  }
0xb7: {  	[dreg:$0x4] =	wrdreg s17  }
0xb8: {  	[dreg:$0x5] =	wrdreg $0x9  }
0xb9: {  	_ =	task.clear_ibuf [dreg:s9], $0x6FFFF;
	_ =	strace $0x90000046  }
0xba: {  	s29 =	simm.s32 $0x9;
	_ =	strace $0x80000048  }
0xbb: {  	_ =	swait.ge [sflag:s29], $0x1  }
0xbc: {  	[sflag:s29] =	ssyncadd.s32 $0xFFFFFFFF  }
0xbd: {  	_ =	strace $0x90000048  }
0xbe: {  	_ =	sfence  }
0xbf: {  	s30 =	sld [smem:$0x0];
	_ =	sdelay $0x2  }
0xc0: {  	s31 =	sshll.u32 s1, $0xD;
	s1 =	sshrl.u32 s1, $0x2  }
0xc1: {  	s3 =	sand.u32 $0x4000, s31;
	s1 =	sadd.s32 s1, s30  }
0xc2: {  	s0 =	sor.u32 s3, s0;
	s1 =	sshll.u32 s1, $0x11  }
0xc3: {  	s0 =	sor.u32 s1, s0  }
0xc4: {  	s0 =	sadd.s32 $0x8F2B, s0  }
0xc5: {  	[sflag:s0] =	ssyncadd.remote.s32 $0x1  }
0xc6: {  	_ =	sfence.sel $0xFFFF  }
0xc7: {  	[dreg:$0x0] =	wrdreg $0xFFFFFFFF;
	(pc) =	sbr.abs _section_cstart, $3  }
0xc8: {  	[dreg:$0x1] =	wrdreg $0xFFFFFFFF  }
0xc9: {  	_ =	task.clear_ibuf [dreg:s9], $0x2FFFF;
	_ =	strace $0x9FFFFFFF  }
0xca: {  	(tm) =	ssettm $0x7FFFFFFF  }
0xcb: {  	_ =	shalt  }
tec
execute0_lowered:
.L_overlay_start_1:
0x0: {  	(tag) =	ssettag $0x1  }
0x1: {  	s2 =	rddreg [dreg:$0x0]  }
0x2: {  	s13 =	rddreg [dreg:$0x1]  }
0x3: {  	s4 =	rddreg [dreg:$0x2]  }
0x4: {  	s0 =	srdreg.scid;
	s10 =	stileid.u32  }
0x5: {  	s5 =	simm.s32 $0x0;
	s14 =	simm.s32 $0x80;
	s15 =	simm.s32 $0x380  }
0x6: {  	s16 =	simm.s32 $0x4380;
	s17 =	simm.s32 $0x100;
	s30 =	simm.s32 $0x0  }
0x7: {  	s0 =	sand.u32 $0x1, s0;
	s1 =	smul.u32 $0x30, s10;
	s3 =	sshll.u32 s10, $0x1  }
0x8: {  	[smem:$0x7FF] =	sst s5;
	s20 =	sadd.s32 $0x30D0, s13;
	s23 =	smul.u32 $0x18000, s10  }
0x9: {  	s25 =	sadd.s32 $0x186800, s4;
	s13 =	simm.s32 $0xF;
	s6 =	smul.u32 $0x18, s0  }
0xa: {  	s3 =	sor.u32 s0, s3;
	_ =	strace $0x80000047;
	[dreg:$0xd] =	wrdreg s20  }
0xb: {  	s8 =	ssub.s32 $0x2, s0;
	s0 =	smul.u32 $0xC000, s0;
	[dreg:$0xe] =	wrdreg s25  }
0xc: {  	s9 =	smin.u32 s3, $0xD;
	s11 =	sshrl.u32 s8, $0x1;
	s1 =	sadd.s32 s6, s1  }
0xd: {  	s20 =	simm.s32 $0x2;
	s11 =	ssub.s32 s8, s11;
	s1 =	sadd.s32 s9, s1  }
0xe: {  	p0 =	slt.u32 s3, $0xD;
	s31 =	smax.u32 s11, $0x1;
	s7 =	sshll.u32 s1, $0x4  }
0xf: {  	s6 =	simm.s32 $0x19;
	[dreg:$0xf] =	wrdreg s31;
	s18 =	sadd.s32 $0x60, s7  }
0x10: {  	s0 =	sadd.s32 s0, s23;
	s12 =	sadd.s32 $0x50, s7;
	[dreg:$0x4] =	wrdreg s18  }
0x11: {  	s6 =	simm.s32 @!p0 $0x18;
	s19 =	sadd.s32 $0x40, s7;
	[dreg:$0x5] =	wrdreg s12  }
0x12: {  	s9 =	sshll.u32 s9, $0xB;
	s22 =	sadd.s32 $0x30, s7;
	[dreg:$0x6] =	wrdreg s19  }
0x13: {  	s1 =	sshll.u32 s1, $0xB;
	s26 =	sadd.s32 $0x20, s7;
	[dreg:$0x8] =	wrdreg s22  }
0x14: {  	s8 =	sadd.s32 s1, s4;
	s29 =	sadd.s32 $0x10, s7;
	[dreg:$0xa] =	wrdreg s26  }
0x15: {  	p0 =	sne.s32 s3, $0x1F;
	s21 =	sadd.s32 $0x1800, s8;
	[dreg:$0xc] =	wrdreg s29  }
0x16: {  	s24 =	sadd.s32 $0x1000, s8;
	s28 =	sadd.s32 $0x800, s8;
	[dreg:$0x7] =	wrdreg s21  }
0x17: {  	s12 =	sadd.s32 s9, s0;
	s18 =	simm.s32 $0x8380;
	[dreg:$0x9] =	wrdreg s24  }
0x18: {  	s19 =	simm.s32 $0x1;
	[dreg:$0xb] =	wrdreg s28;
	s21 =	simm.s32 $0x3  }
.LBB2_1:
0x19: {  	p2 =	sle.u32 s6, $0xFFFFFFFD  }
0x1a: {  	p1 =	por $0x1, $0x1;
	s0 =	sadd.s32 @!p2 $0x0, s12;
	s1 =	simm.s32 @!p2 $0x5  }
0x1b: {  	s3 =	simm.s32 @!p2 $0x10380;
	s0 =	sadd.s32 @!p2 $0xFFFFE800, s0;
	_ =	swait.ge @!p2 [sflag:s1], $0x4000  }
0x1c: {  	s9 =	simm.s32 @!p2 $0x0;
	s0 =	sand.u32 @!p2 $0x1FFFF800, s0;
	[sflag:s1] =	ssyncset.done @!p2 $0x0  }
0x1d: {  	s11 =	simm.s32 @!p1 $0x8;
	s0 =	sadd.s32 @!p2 s4, s0;
	[sflag:s1] =	ssyncadd.s32 @!p2 $0xFFFFC000  }
0x1e: {  	[hbm4b:s0+s9] =	stream.linear.scatter @!p2 [tilespmem:s3], [sflag:$0xC], $0x4000, $0x38;
	[tilespmem:$0x1C380] =	vst v63  }
0x1f: {  	_ =	swait.ge @!p1 [sflag:s11], $0x4000  }
0x20: {  	[sflag:s11] =	ssyncset.done @!p1 $0x0  }
0x21: {  	s10 =	rddreg [dreg:$0x1]  }
0x22: {  	[sflag:s11] =	ssyncadd.s32 @!p1 $0xFFFFC000;
	s23 =	sadd.s32 s10, s7  }
0x23: {  	[tilespmem:s5], [sflag:$0xF] =	stream.linear.gather [hbm4b:s23+s5], $0x80, $0x38;
	[tilespmem:$0x1C380] =	vst v63  }
0x24: {  	_ =	swait.ge [sflag:s13], $0x80  }
0x25: {  	p2 =	sle.u32 s6, $0xFFFFFFFE;
	[sflag:s13] =	ssyncset.done $0x0  }
0x26: {  	s0 =	sadd.s32 @!p2 $0x0, s12;
	s1 =	simm.s32 @!p2 $0x6;
	[sflag:s13] =	ssyncadd.s32 $0xFFFFFF80  }
0x27: {  	[tilespmem:s15], [sflag:$0x1] =	stream.indirect.gather [hbm4b:s2+s14], $0x80, s5, s14, $0xb8;
	[tilespmem:$0x1C380] =	vst v63  }
0x28: {  	s3 =	simm.s32 @!p1 $0x9;
	s0 =	sadd.s32 @!p2 $0xFFFFF000, s0;
	_ =	swait.ge @!p2 [sflag:s1], $0x4000  }
0x29: {  	s9 =	simm.s32 @!p2 $0x0;
	s0 =	sand.u32 @!p2 $0x1FFFF800, s0;
	[sflag:s1] =	ssyncset.done @!p2 $0x0  }
0x2a: {  	s11 =	simm.s32 @!p2 $0x14380;
	s0 =	sadd.s32 @!p2 s4, s0;
	[sflag:s1] =	ssyncadd.s32 @!p2 $0xFFFFC000  }
0x2b: {  	[hbm4b:s0+s9] =	stream.linear.scatter @!p2 [tilespmem:s11], [sflag:$0xD], $0x4000, $0x38;
	[tilespmem:$0x1C380] =	vst v63  }
0x2c: {  	_ =	swait.ge @!p1 [sflag:s3], $0x4000  }
0x2d: {  	s24 =	rddreg [dreg:$0xc];
	[sflag:s3] =	ssyncset.done @!p1 $0x0  }
0x2e: {  	[sflag:s3] =	ssyncadd.s32 @!p1 $0xFFFFC000;
	s0 =	sadd.s32 s10, s24  }
0x2f: {  	[tilespmem:s14], [sflag:$0xF] =	stream.linear.gather [hbm4b:s0+s5], $0x80, $0x38;
	[tilespmem:$0x1C380] =	vst v63  }
0x30: {  	_ =	swait.ge [sflag:s13], $0x80  }
0x31: {  	p2 =	sle.u32 s6, $0xFFFFFFFF;
	[sflag:s13] =	ssyncset.done $0x0  }
0x32: {  	s1 =	simm.s32 @!p2 $0x7;
	s0 =	sadd.s32 @!p2 $0x0, s12;
	[sflag:s13] =	ssyncadd.s32 $0xFFFFFF80  }
0x33: {  	[tilespmem:s16], [sflag:$0x2] =	stream.indirect.gather [hbm4b:s2+s14], $0x80, s14, s14, $0xb8;
	[tilespmem:$0x1C380] =	vst v63  }
0x34: {  	s9 =	simm.s32 @!p2 $0x0;
	s0 =	sadd.s32 @!p2 $0xFFFFF800, s0;
	_ =	swait.ge @!p2 [sflag:s1], $0x4000  }
0x35: {  	s3 =	simm.s32 @!p2 $0x18380;
	s0 =	sand.u32 @!p2 $0x1FFFF800, s0;
	[sflag:s1] =	ssyncset.done @!p2 $0x0  }
0x36: {  	s0 =	sadd.s32 @!p2 s4, s0;
	[sflag:s1] =	ssyncadd.s32 @!p2 $0xFFFFC000;
	s1 =	simm.s32 @!p1 $0xA  }
0x37: {  	[hbm4b:s0+s9] =	stream.linear.scatter @!p2 [tilespmem:s3], [sflag:$0xE], $0x4000, $0x38;
	[tilespmem:$0x1C380] =	vst v63  }
0x38: {  	_ =	swait.ge @!p1 [sflag:s1], $0x4000  }
0x39: {  	s25 =	rddreg [dreg:$0xa];
	[sflag:s1] =	ssyncset.done @!p1 $0x0  }
0x3a: {  	[sflag:s1] =	ssyncadd.s32 @!p1 $0xFFFFC000;
	s0 =	sadd.s32 s10, s25  }
0x3b: {  	[tilespmem:s17], [sflag:$0xF] =	stream.linear.gather [hbm4b:s0+s5], $0x80, $0x38;
	[tilespmem:$0x1C380] =	vst v63  }
0x3c: {  	_ =	swait.ge [sflag:s13], $0x80  }
0x3d: {  	[sflag:s13] =	ssyncset.done $0x0  }
0x3e: {  	p1 =	sle.u32 s6, $0x3;
	[sflag:s13] =	ssyncadd.s32 $0xFFFFFF80  }
0x3f: {  	[tilespmem:s18], [sflag:$0x3] =	stream.indirect.gather [hbm4b:s2+s14], $0x80, s17, s14, $0xb8;
	[tilespmem:$0x1C380] =	vst v63  }
0x40: {  	p2 =	por @!p1 $0x1, $0x1;
	_ =	swait.ge [sflag:s19], $0x4000  }
0x41: {  	p2 =	por p2, p1;
	[sflag:s19] =	ssyncset.done $0x0  }
0x42: {  	s26 =	sadd.s32 $0x0, s8;
	s0 =	simm.s32 @!p2 $0xB;
	[sflag:s19] =	ssyncadd.s32 $0xFFFFC000  }
0x43: {  	[hbm4b:s26+s5] =	stream.linear.scatter [tilespmem:s15], [sflag:$0x8], $0x4000, $0x38;
	[tilespmem:$0x1C380] =	vst v63  }
0x44: {  	s1 =	simm.s32 @!p1 $0x0;
	_ =	swait.ge @!p2 [sflag:s0], $0x4000  }
0x45: {  	s9 =	simm.s32 @!p1 $0xF;
	s3 =	rddreg [dreg:$0x8];
	[sflag:s0] =	ssyncset.done @!p2 $0x0  }
0x46: {  	[sflag:s0] =	ssyncadd.s32 @!p2 $0xFFFFC000;
	s0 =	simm.s32 @!p1 $0x180;
	s3 =	sadd.s32 @!p1 s10, s3  }
0x47: {  	[tilespmem:s0], [sflag:$0xF] =	stream.linear.gather @!p1 [hbm4b:s3+s1], $0x80, $0x38;
	[tilespmem:$0x1C380] =	vst v63  }
0x48: {  	_ =	swait.ge @!p1 [sflag:s9], $0x80  }
0x49: {  	s11 =	simm.s32 @!p1 $0xC380;
	[sflag:s9] =	ssyncset.done @!p1 $0x0  }
0x4a: {  	p2 =	sle.u32 s6, $0x4;
	s3 =	simm.s32 @!p1 $0x80;
	[sflag:s9] =	ssyncadd.s32 @!p1 $0xFFFFFF80  }
0x4b: {  	[tilespmem:s11], [sflag:$0x4] =	stream.indirect.gather @!p1 [hbm4b:s2+s3], $0x80, s0, s3, $0xb8;
	[tilespmem:$0x1C380] =	vst v63  }
0x4c: {  	p3 =	por @!p2 $0x1, $0x1;
	_ =	swait.ge [sflag:s20], $0x4000  }
0x4d: {  	p3 =	por p3, p2;
	s28 =	rddreg [dreg:$0xb];
	[sflag:s20] =	ssyncset.done $0x0  }
0x4e: {  	s3 =	simm.s32 @!p3 $0xC;
	[sflag:s20] =	ssyncadd.s32 $0xFFFFC000;
	s0 =	sadd.s32 $0x0, s28  }
0x4f: {  	[hbm4b:s0+s5] =	stream.linear.scatter [tilespmem:s16], [sflag:$0x9], $0x4000, $0x38;
	[tilespmem:$0x1C380] =	vst v63  }
0x50: {  	s22 =	simm.s32 @!p2 $0xF;
	_ =	swait.ge @!p3 [sflag:s3], $0x4000  }
0x51: {  	s9 =	simm.s32 @!p2 $0x200;
	s0 =	rddreg [dreg:$0x6];
	[sflag:s3] =	ssyncset.done @!p3 $0x0  }
0x52: {  	[sflag:s3] =	ssyncadd.s32 @!p3 $0xFFFFC000;
	s3 =	simm.s32 @!p2 $0x0;
	s0 =	sadd.s32 @!p2 s10, s0  }
0x53: {  	[tilespmem:s9], [sflag:$0xF] =	stream.linear.gather @!p2 [hbm4b:s0+s3], $0x80, $0x38;
	[tilespmem:$0x1C380] =	vst v63  }
0x54: {  	_ =	swait.ge @!p2 [sflag:s22], $0x80  }
0x55: {  	[sflag:s22] =	ssyncset.done @!p2 $0x0  }
0x56: {  	s0 =	simm.s32 @!p2 $0x80;
	s3 =	simm.s32 @!p2 $0x10380;
	[sflag:s22] =	ssyncadd.s32 @!p2 $0xFFFFFF80  }
0x57: {  	[tilespmem:s3], [sflag:$0x5] =	stream.indirect.gather @!p2 [hbm4b:s2+s0], $0x80, s9, s0, $0xb8;
	[tilespmem:$0x1C380] =	vst v63  }
0x58: {  	p2 =	sle.u32 s6, $0x5  }
0x59: {  	_ =	swait.ge [sflag:s21], $0x4000;
	p3 =	por @!p2 $0x1, $0x1  }
0x5a: {  	s29 =	rddreg [dreg:$0x9];
	[sflag:s21] =	ssyncset.done $0x0;
	p3 =	por p3, p2  }
0x5b: {  	[sflag:s21] =	ssyncadd.s32 $0xFFFFC000;
	s0 =	sadd.s32 $0x0, s29;
	s3 =	simm.s32 @!p3 $0xD  }
0x5c: {  	[hbm4b:s0+s5] =	stream.linear.scatter [tilespmem:s18], [sflag:$0xA], $0x4000, $0x38;
	[tilespmem:$0x1C380] =	vst v63  }
0x5d: {  	s9 =	simm.s32 @!p2 $0x280;
	_ =	swait.ge @!p3 [sflag:s3], $0x4000  }
0x5e: {  	s22 =	simm.s32 @!p2 $0xF;
	s0 =	rddreg [dreg:$0x5];
	[sflag:s3] =	ssyncset.done @!p3 $0x0  }
0x5f: {  	[sflag:s3] =	ssyncadd.s32 @!p3 $0xFFFFC000;
	s3 =	simm.s32 @!p2 $0x0;
	s0 =	sadd.s32 @!p2 s10, s0  }
0x60: {  	[tilespmem:s9], [sflag:$0xF] =	stream.linear.gather @!p2 [hbm4b:s0+s3], $0x80, $0x38;
	[tilespmem:$0x1C380] =	vst v63  }
0x61: {  	p4 =	sle.u32 s6, $0x6;
	s31 =	sadd.s32 $0x70, s10;
	_ =	swait.ge @!p2 [sflag:s22], $0x80  }
0x62: {  	p3 =	sle.u32 s6, $0x4;
	s0 =	simm.s32 @!p2 $0x80;
	[sflag:s22] =	ssyncset.done @!p2 $0x0  }
0x63: {  	s3 =	simm.s32 @!p2 $0x14380;
	[sflag:s22] =	ssyncadd.s32 @!p2 $0xFFFFFF80;
	s22 =	simm.s32 @!p1 $0x4  }
0x64: {  	[tilespmem:s3], [sflag:$0x6] =	stream.indirect.gather @!p2 [hbm4b:s2+s0], $0x80, s9, s0, $0xb8;
	[tilespmem:$0x1C380] =	vst v63  }
0x65: {  	s0 =	simm.s32 $0xD;
	p2 =	por @!p4 $0x1, $0x1;
	_ =	swait.ge @!p1 [sflag:s22], $0x4000  }
0x66: {  	s9 =	simm.s32 $0x14;
	s3 =	rddreg [dreg:$0x7];
	[sflag:s22] =	ssyncset.done @!p1 $0x0  }
0x67: {  	p5 =	por p2, p4;
	[sflag:s22] =	ssyncadd.s32 @!p1 $0xFFFFC000;
	s3 =	sadd.s32 @!p1 $0x0, s3  }
0x68: {  	[hbm4b:s3+s1] =	stream.linear.scatter @!p1 [tilespmem:s11], [sflag:$0xB], $0x4000, $0x38;
	[tilespmem:$0x1C380] =	vst v63  }
0x69: {  	s25 =	simm.s32 @!p5 $0xE;
	s1 =	simm.s32 $0x3800;
	s3 =	smov.u32 s10  }
.LBB2_2:
0x6a: {  	_ =	swait.ge @!p5 [sflag:s25], $0x4000  }
0x6b: {  	[sflag:s25] =	ssyncset.done @!p5 $0x0  }
0x6c: {  	s28 =	simm.s32 @!p4 $0x300;
	s24 =	rddreg [dreg:$0x4];
	[sflag:s25] =	ssyncadd.s32 @!p5 $0xFFFFC000  }
0x6d: {  	s25 =	simm.s32 @!p4 $0x0;
	s3 =	sadd.s32 @!p4 s3, s24;
	s24 =	simm.s32 @!p4 $0xF  }
0x6e: {  	[tilespmem:s28], [sflag:$0xF] =	stream.linear.gather @!p4 [hbm4b:s3+s25], $0x80, $0x38;
	[tilespmem:$0x1C380] =	vst v63  }
0x6f: {  	s23 =	sadd.s32 @!p3 s1, s12;
	s22 =	smov.u32 s0;
	_ =	swait.ge @!p4 [sflag:s24], $0x80  }
0x70: {  	s26 =	simm.s32 @!p4 $0x18380;
	s29 =	simm.s32 @!p3 $0x5;
	[sflag:s24] =	ssyncset.done @!p4 $0x0  }
0x71: {  	s10 =	simm.s32 @!p4 $0x80;
	s23 =	sadd.s32 @!p3 $0xFFFFE800, s23;
	[sflag:s24] =	ssyncadd.s32 @!p4 $0xFFFFFF80  }
0x72: {  	[tilespmem:s26], [sflag:$0x7] =	stream.indirect.gather @!p4 [hbm4b:s2+s10], $0x80, s28, s10, $0xb8;
	[tilespmem:$0x1C380] =	vst v63  }
0x73: {  	p2 =	seq.s32 s22, $0x6;
	s23 =	sand.u32 @!p3 $0x1FFFF800, s23;
	_ =	swait.ge @!p3 [sflag:s29], $0x4000  }
0x74: {  	s23 =	sadd.s32 @!p3 s4, s23;
	s25 =	simm.s32 @!p3 $0x10380;
	[sflag:s29] =	ssyncset.done @!p3 $0x0  }
0x75: {  	s24 =	simm.s32 @!p2 $0x8;
	s10 =	simm.s32 @!p3 $0x0;
	[sflag:s29] =	ssyncadd.s32 @!p3 $0xFFFFC000  }
0x76: {  	[hbm4b:s23+s10] =	stream.linear.scatter @!p3 [tilespmem:s25], [sflag:$0xC], $0x4000, $0x38;
	[tilespmem:$0x1C380] =	vst v63  }
0x77: {  	_ =	swait.ge @!p2 [sflag:s24], $0x4000  }
0x78: {  	[sflag:s24] =	ssyncset.done @!p2 $0x0  }
0x79: {  	s28 =	sadd.s32 s31, s7;
	[sflag:s24] =	ssyncadd.s32 @!p2 $0xFFFFC000  }
0x7a: {  	[tilespmem:s5], [sflag:$0xF] =	stream.linear.gather [hbm4b:s28+s5], $0x80, $0x38;
	[tilespmem:$0x1C380] =	vst v63  }
0x7b: {  	s25 =	sadd.s32 $0xFFFFFFF8, s22;
	_ =	swait.ge [sflag:s13], $0x80  }
0x7c: {  	p3 =	sge.u32 s25, s6;
	[sflag:s13] =	ssyncset.done $0x0  }
0x7d: {  	s10 =	sadd.s32 @!p3 s1, s12;
	s23 =	simm.s32 @!p3 $0x6;
	[sflag:s13] =	ssyncadd.s32 $0xFFFFFF80  }
0x7e: {  	[tilespmem:s15], [sflag:$0x1] =	stream.indirect.gather [hbm4b:s2+s14], $0x80, s5, s14, $0xb8;
	[tilespmem:$0x1C380] =	vst v63  }
0x7f: {  	s25 =	simm.s32 @!p3 $0x0;
	s10 =	sadd.s32 @!p3 $0xFFFFF000, s10;
	_ =	swait.ge @!p3 [sflag:s23], $0x4000  }
0x80: {  	s26 =	simm.s32 @!p3 $0x14380;
	s10 =	sand.u32 @!p3 $0x1FFFF800, s10;
	[sflag:s23] =	ssyncset.done @!p3 $0x0  }
0x81: {  	s24 =	simm.s32 @!p2 $0x9;
	s10 =	sadd.s32 @!p3 s4, s10;
	[sflag:s23] =	ssyncadd.s32 @!p3 $0xFFFFC000  }
0x82: {  	[hbm4b:s10+s25] =	stream.linear.scatter @!p3 [tilespmem:s26], [sflag:$0xD], $0x4000, $0x38;
	[tilespmem:$0x1C380] =	vst v63  }
0x83: {  	_ =	swait.ge @!p2 [sflag:s24], $0x4000  }
0x84: {  	[sflag:s24] =	ssyncset.done @!p2 $0x0;
	s26 =	rddreg [dreg:$0xc]  }
0x85: {  	[sflag:s24] =	ssyncadd.s32 @!p2 $0xFFFFC000;
	s10 =	sadd.s32 s31, s26  }
0x86: {  	[tilespmem:s14], [sflag:$0xF] =	stream.linear.gather [hbm4b:s10+s5], $0x80, $0x38;
	[tilespmem:$0x1C380] =	vst v63  }
0x87: {  	s28 =	sadd.s32 $0xFFFFFFF9, s22;
	_ =	swait.ge [sflag:s13], $0x80  }
0x88: {  	p3 =	sge.u32 s28, s6;
	[sflag:s13] =	ssyncset.done $0x0  }
0x89: {  	s23 =	simm.s32 @!p3 $0x7;
	s10 =	sadd.s32 @!p3 s1, s12;
	[sflag:s13] =	ssyncadd.s32 $0xFFFFFF80  }
0x8a: {  	[tilespmem:s16], [sflag:$0x2] =	stream.indirect.gather [hbm4b:s2+s14], $0x80, s14, s14, $0xb8;
	[tilespmem:$0x1C380] =	vst v63  }
0x8b: {  	s25 =	simm.s32 @!p3 $0x0;
	s10 =	sadd.s32 @!p3 $0xFFFFF800, s10;
	_ =	swait.ge @!p3 [sflag:s23], $0x4000  }
0x8c: {  	s24 =	simm.s32 @!p3 $0x18380;
	s10 =	sand.u32 @!p3 $0x1FFFF800, s10;
	[sflag:s23] =	ssyncset.done @!p3 $0x0  }
0x8d: {  	s10 =	sadd.s32 @!p3 s4, s10;
	[sflag:s23] =	ssyncadd.s32 @!p3 $0xFFFFC000;
	s23 =	simm.s32 @!p2 $0xA  }
0x8e: {  	[hbm4b:s10+s25] =	stream.linear.scatter @!p3 [tilespmem:s24], [sflag:$0xE], $0x4000, $0x38;
	[tilespmem:$0x1C380] =	vst v63  }
0x8f: {  	_ =	swait.ge @!p2 [sflag:s23], $0x4000  }
0x90: {  	[sflag:s23] =	ssyncset.done @!p2 $0x0;
	s29 =	rddreg [dreg:$0xa]  }
0x91: {  	[sflag:s23] =	ssyncadd.s32 @!p2 $0xFFFFC000;
	s10 =	sadd.s32 s31, s29  }
0x92: {  	[tilespmem:s17], [sflag:$0xF] =	stream.linear.gather [hbm4b:s10+s5], $0x80, $0x38;
	[tilespmem:$0x1C380] =	vst v63  }
0x93: {  	_ =	swait.ge [sflag:s13], $0x80  }
0x94: {  	s24 =	sadd.s32 $0xFFFFFFFD, s22;
	[sflag:s13] =	ssyncset.done $0x0  }
0x95: {  	p2 =	sge.u32 s24, s6;
	[sflag:s13] =	ssyncadd.s32 $0xFFFFFF80  }
0x96: {  	[tilespmem:s18], [sflag:$0x3] =	stream.indirect.gather [hbm4b:s2+s14], $0x80, s17, s14, $0xb8;
	[tilespmem:$0x1C380] =	vst v63  }
0x97: {  	p3 =	seq.s32 @!p2 s22, $0x6;
	_ =	swait.ge [sflag:s19], $0x4000  }
0x98: {  	p3 =	por p3, p2;
	[sflag:s19] =	ssyncset.done $0x0  }
0x99: {  	s25 =	sadd.s32 s1, s8;
	s10 =	simm.s32 @!p3 $0xB;
	[sflag:s19] =	ssyncadd.s32 $0xFFFFC000  }
0x9a: {  	[hbm4b:s25+s5] =	stream.linear.scatter [tilespmem:s15], [sflag:$0x8], $0x4000, $0x38;
	[tilespmem:$0x1C380] =	vst v63  }
0x9b: {  	s23 =	simm.s32 @!p2 $0x0;
	_ =	swait.ge @!p3 [sflag:s10], $0x4000  }
0x9c: {  	s25 =	simm.s32 @!p2 $0xF;
	[sflag:s10] =	ssyncset.done @!p3 $0x0;
	s24 =	rddreg [dreg:$0x8]  }
0x9d: {  	[sflag:s10] =	ssyncadd.s32 @!p3 $0xFFFFC000;
	s10 =	simm.s32 @!p2 $0x180;
	s24 =	sadd.s32 @!p2 s31, s24  }
0x9e: {  	[tilespmem:s10], [sflag:$0xF] =	stream.linear.gather @!p2 [hbm4b:s24+s23], $0x80, $0x38;
	[tilespmem:$0x1C380] =	vst v63  }
0x9f: {  	_ =	swait.ge @!p2 [sflag:s25], $0x80  }
0xa0: {  	[sflag:s25] =	ssyncset.done @!p2 $0x0  }
0xa1: {  	s26 =	simm.s32 @!p2 $0x80;
	s24 =	simm.s32 @!p2 $0xC380;
	[sflag:s25] =	ssyncadd.s32 @!p2 $0xFFFFFF80  }
0xa2: {  	[tilespmem:s24], [sflag:$0x4] =	stream.indirect.gather @!p2 [hbm4b:s2+s26], $0x80, s10, s26, $0xb8;
	[tilespmem:$0x1C380] =	vst v63  }
0xa3: {  	s26 =	sadd.s32 $0xFFFFFFFE, s22  }
0xa4: {  	p3 =	sge.u32 s26, s6  }
0xa5: {  	_ =	swait.ge [sflag:s20], $0x4000;
	p4 =	seq.s32 @!p3 s22, $0x6  }
0xa6: {  	s28 =	rddreg [dreg:$0xb];
	[sflag:s20] =	ssyncset.done $0x0;
	p4 =	por p4, p3  }
0xa7: {  	[sflag:s20] =	ssyncadd.s32 $0xFFFFC000;
	s29 =	sadd.s32 s1, s28;
	s25 =	simm.s32 @!p4 $0xC  }
0xa8: {  	[hbm4b:s29+s5] =	stream.linear.scatter [tilespmem:s16], [sflag:$0x9], $0x4000, $0x38;
	[tilespmem:$0x1C380] =	vst v63  }
0xa9: {  	s26 =	simm.s32 @!p3 $0x200;
	_ =	swait.ge @!p4 [sflag:s25], $0x4000  }
0xaa: {  	s28 =	simm.s32 @!p3 $0xF;
	s10 =	rddreg [dreg:$0x6];
	[sflag:s25] =	ssyncset.done @!p4 $0x0  }
0xab: {  	[sflag:s25] =	ssyncadd.s32 @!p4 $0xFFFFC000;
	s25 =	simm.s32 @!p3 $0x0;
	s10 =	sadd.s32 @!p3 s31, s10  }
0xac: {  	[tilespmem:s26], [sflag:$0xF] =	stream.linear.gather @!p3 [hbm4b:s10+s25], $0x80, $0x38;
	[tilespmem:$0x1C380] =	vst v63  }
0xad: {  	_ =	swait.ge @!p3 [sflag:s28], $0x80  }
0xae: {  	[sflag:s28] =	ssyncset.done @!p3 $0x0  }
0xaf: {  	s10 =	simm.s32 @!p3 $0x80;
	s25 =	simm.s32 @!p3 $0x10380;
	[sflag:s28] =	ssyncadd.s32 @!p3 $0xFFFFFF80  }
0xb0: {  	[tilespmem:s25], [sflag:$0x5] =	stream.indirect.gather @!p3 [hbm4b:s2+s10], $0x80, s26, s10, $0xb8;
	[tilespmem:$0x1C380] =	vst v63  }
0xb1: {  	s25 =	sadd.s32 $0xFFFFFFFF, s22  }
0xb2: {  	s0 =	smov.u32 s9;
	s9 =	sadd.s32 $0x7, s9;
	p3 =	sge.u32 s25, s6  }
0xb3: {  	s11 =	smov.u32 s1;
	_ =	swait.ge [sflag:s21], $0x4000;
	p4 =	seq.s32 @!p3 s22, $0x6  }
0xb4: {  	s26 =	rddreg [dreg:$0x9];
	[sflag:s21] =	ssyncset.done $0x0;
	p4 =	por p4, p3  }
0xb5: {  	[sflag:s21] =	ssyncadd.s32 $0xFFFFC000;
	s28 =	sadd.s32 s1, s26;
	s25 =	simm.s32 @!p4 $0xD  }
0xb6: {  	[hbm4b:s28+s5] =	stream.linear.scatter [tilespmem:s18], [sflag:$0xA], $0x4000, $0x38;
	[tilespmem:$0x1C380] =	vst v63  }
0xb7: {  	p1 =	sne.s32 s9, $0x22;
	s26 =	simm.s32 @!p3 $0x280;
	_ =	swait.ge @!p4 [sflag:s25], $0x4000  }
0xb8: {  	s28 =	simm.s32 @!p3 $0xF;
	s10 =	rddreg [dreg:$0x5];
	[sflag:s25] =	ssyncset.done @!p4 $0x0  }
0xb9: {  	[sflag:s25] =	ssyncadd.s32 @!p4 $0xFFFFC000;
	s25 =	simm.s32 @!p3 $0x0;
	s10 =	sadd.s32 @!p3 s31, s10  }
0xba: {  	[tilespmem:s26], [sflag:$0xF] =	stream.linear.gather @!p3 [hbm4b:s10+s25], $0x80, $0x38;
	[tilespmem:$0x1C380] =	vst v63  }
0xbb: {  	s3 =	smov.u32 s31;
	s29 =	sadd.s32 $0xFFFFFFF7, s0;
	_ =	swait.ge @!p3 [sflag:s28], $0x80  }
0xbc: {  	s1 =	sadd.s32 $0x3800, s1;
	p4 =	sge.u32 s22, s6;
	[sflag:s28] =	ssyncset.done @!p3 $0x0  }
0xbd: {  	s10 =	simm.s32 @!p3 $0x80;
	s25 =	simm.s32 @!p3 $0x14380;
	[sflag:s28] =	ssyncadd.s32 @!p3 $0xFFFFFF80  }
0xbe: {  	[tilespmem:s25], [sflag:$0x6] =	stream.indirect.gather @!p3 [hbm4b:s2+s10], $0x80, s26, s10, $0xb8;
	[tilespmem:$0x1C380] =	vst v63  }
.Ltmp0:
0xbf: {  	s28 =	simm.s32 @!p2 $0x4;
	p3 =	seq.s32 @!p4 s22, $0x6;
	(pc) =	sbr.rel @p1 .LBB2_2-.Ltmp0, $4  }
0xc0: {  	s31 =	sadd.s32 $0x70, s31;
	_ =	swait.ge @!p2 [sflag:s28], $0x4000;
	p5 =	por p3, p4  }
0xc1: {  	p3 =	sge.u32 s29, s6;
	[sflag:s28] =	ssyncset.done @!p2 $0x0;
	s10 =	rddreg [dreg:$0x7]  }
0xc2: {  	s25 =	simm.s32 @!p5 $0xE;
	[sflag:s28] =	ssyncadd.s32 @!p2 $0xFFFFC000;
	s10 =	sadd.s32 @!p2 s11, s10  }
0xc3: {  	[hbm4b:s10+s23] =	stream.linear.scatter @!p2 [tilespmem:s24], [sflag:$0xB], $0x4000, $0x38;
	[tilespmem:$0x1C380] =	vst v63  }
0xc4: {  	_ =	swait.ge @!p5 [sflag:s25], $0x4000;
	s11 =	simm.s32 @!p4 $0x300  }
0xc5: {  	s22 =	simm.s32 @!p4 $0x0;
	s9 =	rddreg [dreg:$0x4];
	[sflag:s25] =	ssyncset.done @!p5 $0x0  }
0xc6: {  	[sflag:s25] =	ssyncadd.s32 @!p5 $0xFFFFC000;
	s3 =	sadd.s32 @!p4 s3, s9;
	s9 =	simm.s32 @!p4 $0xF  }
0xc7: {  	[tilespmem:s11], [sflag:$0xF] =	stream.linear.gather @!p4 [hbm4b:s3+s22], $0x80, $0x38;
	[tilespmem:$0x1C380] =	vst v63  }
0xc8: {  	s10 =	sadd.s32 @!p3 s1, s12;
	_ =	swait.ge @!p4 [sflag:s9], $0x80  }
0xc9: {  	s3 =	sadd.s32 @!p3 $0xFFFFE800, s10;
	s10 =	simm.s32 @!p4 $0x18380;
	[sflag:s9] =	ssyncset.done @!p4 $0x0  }
0xca: {  	s22 =	simm.s32 @!p3 $0x5;
	[sflag:s9] =	ssyncadd.s32 @!p4 $0xFFFFFF80;
	s9 =	simm.s32 @!p4 $0x80  }
0xcb: {  	[tilespmem:s10], [sflag:$0x7] =	stream.indirect.gather @!p4 [hbm4b:s2+s9], $0x80, s11, s9, $0xb8;
	[tilespmem:$0x1C380] =	vst v63  }
0xcc: {  	p1 =	seq.s32 s0, $0x6;
	s3 =	sand.u32 @!p3 $0x1FFFF800, s3;
	_ =	swait.ge @!p3 [sflag:s22], $0x4000  }
0xcd: {  	s3 =	sadd.s32 @!p3 s4, s3;
	s9 =	simm.s32 @!p3 $0x10380;
	[sflag:s22] =	ssyncset.done @!p3 $0x0  }
0xce: {  	s10 =	simm.s32 @!p3 $0x0;
	s11 =	simm.s32 @!p1 $0x8;
	[sflag:s22] =	ssyncadd.s32 @!p3 $0xFFFFC000  }
0xcf: {  	[hbm4b:s3+s10] =	stream.linear.scatter @!p3 [tilespmem:s9], [sflag:$0xC], $0x4000, $0x38;
	[tilespmem:$0x1C380] =	vst v63  }
0xd0: {  	_ =	swait.ge @!p1 [sflag:s11], $0x4000  }
0xd1: {  	[sflag:s11] =	ssyncset.done @!p1 $0x0  }
0xd2: {  	s25 =	sadd.s32 s31, s7;
	[sflag:s11] =	ssyncadd.s32 @!p1 $0xFFFFC000  }
0xd3: {  	[tilespmem:s5], [sflag:$0xF] =	stream.linear.gather [hbm4b:s25+s5], $0x80, $0x38;
	[tilespmem:$0x1C380] =	vst v63  }
0xd4: {  	s26 =	sadd.s32 $0xFFFFFFF8, s0;
	_ =	swait.ge [sflag:s13], $0x80  }
0xd5: {  	p2 =	sge.u32 s26, s6;
	[sflag:s13] =	ssyncset.done $0x0  }
0xd6: {  	s3 =	sadd.s32 @!p2 s1, s12;
	s9 =	simm.s32 @!p2 $0x6;
	[sflag:s13] =	ssyncadd.s32 $0xFFFFFF80  }
0xd7: {  	[tilespmem:s15], [sflag:$0x1] =	stream.indirect.gather [hbm4b:s2+s14], $0x80, s5, s14, $0xb8;
	[tilespmem:$0x1C380] =	vst v63  }
0xd8: {  	s22 =	simm.s32 @!p2 $0x14380;
	s3 =	sadd.s32 @!p2 $0xFFFFF000, s3;
	_ =	swait.ge @!p2 [sflag:s9], $0x4000  }
0xd9: {  	s10 =	simm.s32 @!p1 $0x9;
	s3 =	sand.u32 @!p2 $0x1FFFF800, s3;
	[sflag:s9] =	ssyncset.done @!p2 $0x0  }
0xda: {  	s3 =	sadd.s32 @!p2 s4, s3;
	s11 =	simm.s32 @!p2 $0x0;
	[sflag:s9] =	ssyncadd.s32 @!p2 $0xFFFFC000  }
0xdb: {  	[hbm4b:s3+s11] =	stream.linear.scatter @!p2 [tilespmem:s22], [sflag:$0xD], $0x4000, $0x38;
	[tilespmem:$0x1C380] =	vst v63  }
0xdc: {  	_ =	swait.ge @!p1 [sflag:s10], $0x4000  }
0xdd: {  	s28 =	rddreg [dreg:$0xc];
	[sflag:s10] =	ssyncset.done @!p1 $0x0  }
0xde: {  	[sflag:s10] =	ssyncadd.s32 @!p1 $0xFFFFC000;
	s3 =	sadd.s32 s31, s28  }
0xdf: {  	[tilespmem:s14], [sflag:$0xF] =	stream.linear.gather [hbm4b:s3+s5], $0x80, $0x38;
	[tilespmem:$0x1C380] =	vst v63  }
0xe0: {  	s29 =	sadd.s32 $0xFFFFFFF9, s0;
	_ =	swait.ge [sflag:s13], $0x80  }
0xe1: {  	p2 =	sge.u32 s29, s6;
	[sflag:s13] =	ssyncset.done $0x0  }
0xe2: {  	s9 =	simm.s32 @!p2 $0x7;
	s3 =	sadd.s32 @!p2 s1, s12;
	[sflag:s13] =	ssyncadd.s32 $0xFFFFFF80  }
0xe3: {  	[tilespmem:s16], [sflag:$0x2] =	stream.indirect.gather [hbm4b:s2+s14], $0x80, s14, s14, $0xb8;
	[tilespmem:$0x1C380] =	vst v63  }
0xe4: {  	s11 =	simm.s32 @!p2 $0x0;
	s3 =	sadd.s32 @!p2 $0xFFFFF800, s3;
	_ =	swait.ge @!p2 [sflag:s9], $0x4000  }
0xe5: {  	s10 =	simm.s32 @!p2 $0x18380;
	s3 =	sand.u32 @!p2 $0x1FFFF800, s3;
	[sflag:s9] =	ssyncset.done @!p2 $0x0  }
0xe6: {  	s3 =	sadd.s32 @!p2 s4, s3;
	[sflag:s9] =	ssyncadd.s32 @!p2 $0xFFFFC000;
	s9 =	simm.s32 @!p1 $0xA  }
0xe7: {  	[hbm4b:s3+s11] =	stream.linear.scatter @!p2 [tilespmem:s10], [sflag:$0xE], $0x4000, $0x38;
	[tilespmem:$0x1C380] =	vst v63  }
0xe8: {  	_ =	swait.ge @!p1 [sflag:s9], $0x4000  }
0xe9: {  	s10 =	rddreg [dreg:$0xa];
	[sflag:s9] =	ssyncset.done @!p1 $0x0  }
0xea: {  	[sflag:s9] =	ssyncadd.s32 @!p1 $0xFFFFC000;
	s3 =	sadd.s32 s31, s10  }
0xeb: {  	[tilespmem:s17], [sflag:$0xF] =	stream.linear.gather [hbm4b:s3+s5], $0x80, $0x38;
	[tilespmem:$0x1C380] =	vst v63  }
0xec: {  	_ =	swait.ge [sflag:s13], $0x80  }
0xed: {  	s11 =	sadd.s32 $0xFFFFFFFD, s0;
	[sflag:s13] =	ssyncset.done $0x0  }
0xee: {  	p1 =	sge.u32 s11, s6;
	[sflag:s13] =	ssyncadd.s32 $0xFFFFFF80  }
0xef: {  	[tilespmem:s18], [sflag:$0x3] =	stream.indirect.gather [hbm4b:s2+s14], $0x80, s17, s14, $0xb8;
	[tilespmem:$0x1C380] =	vst v63  }
0xf0: {  	p2 =	seq.s32 @!p1 s0, $0x6;
	_ =	swait.ge [sflag:s19], $0x4000  }
0xf1: {  	p2 =	por p2, p1;
	[sflag:s19] =	ssyncset.done $0x0  }
0xf2: {  	s22 =	sadd.s32 s1, s8;
	s3 =	simm.s32 @!p2 $0xB;
	[sflag:s19] =	ssyncadd.s32 $0xFFFFC000  }
0xf3: {  	[hbm4b:s22+s5] =	stream.linear.scatter [tilespmem:s15], [sflag:$0x8], $0x4000, $0x38;
	[tilespmem:$0x1C380] =	vst v63  }
0xf4: {  	s10 =	simm.s32 @!p1 $0x180;
	_ =	swait.ge @!p2 [sflag:s3], $0x4000  }
0xf5: {  	s11 =	simm.s32 @!p1 $0xF;
	s9 =	rddreg [dreg:$0x8];
	[sflag:s3] =	ssyncset.done @!p2 $0x0  }
0xf6: {  	[sflag:s3] =	ssyncadd.s32 @!p2 $0xFFFFC000;
	s3 =	simm.s32 @!p1 $0x0;
	s9 =	sadd.s32 @!p1 s31, s9  }
0xf7: {  	[tilespmem:s10], [sflag:$0xF] =	stream.linear.gather @!p1 [hbm4b:s9+s3], $0x80, $0x38;
	[tilespmem:$0x1C380] =	vst v63  }
0xf8: {  	_ =	swait.ge @!p1 [sflag:s11], $0x80  }
0xf9: {  	s23 =	sadd.s32 $0xFFFFFFFE, s0;
	s22 =	simm.s32 @!p1 $0x80;
	[sflag:s11] =	ssyncset.done @!p1 $0x0  }
0xfa: {  	p2 =	sge.u32 s23, s6;
	s9 =	simm.s32 @!p1 $0xC380;
	[sflag:s11] =	ssyncadd.s32 @!p1 $0xFFFFFF80  }
0xfb: {  	[tilespmem:s9], [sflag:$0x4] =	stream.indirect.gather @!p1 [hbm4b:s2+s22], $0x80, s10, s22, $0xb8;
	[tilespmem:$0x1C380] =	vst v63  }
0xfc: {  	p3 =	seq.s32 @!p2 s0, $0x6;
	_ =	swait.ge [sflag:s20], $0x4000  }
0xfd: {  	p3 =	por p3, p2;
	s24 =	rddreg [dreg:$0xb];
	[sflag:s20] =	ssyncset.done $0x0  }
0xfe: {  	s11 =	simm.s32 @!p3 $0xC;
	[sflag:s20] =	ssyncadd.s32 $0xFFFFC000;
	s25 =	sadd.s32 s1, s24  }
0xff: {  	[hbm4b:s25+s5] =	stream.linear.scatter [tilespmem:s16], [sflag:$0x9], $0x4000, $0x38;
	[tilespmem:$0x1C380] =	vst v63  }
0x100: {  	_ =	swait.ge @!p3 [sflag:s11], $0x4000  }
0x101: {  	s22 =	simm.s32 @!p2 $0x200;
	s10 =	rddreg [dreg:$0x6];
	[sflag:s11] =	ssyncset.done @!p3 $0x0  }
0x102: {  	[sflag:s11] =	ssyncadd.s32 @!p3 $0xFFFFC000;
	s11 =	simm.s32 @!p2 $0x0;
	s10 =	sadd.s32 @!p2 s31, s10  }
0x103: {  	[tilespmem:s22], [sflag:$0xF] =	stream.linear.gather @!p2 [hbm4b:s10+s11], $0x80, $0x38;
	[tilespmem:$0x1C380] =	vst v63  }
0x104: {  	s10 =	simm.s32 @!p2 $0xF  }
0x105: {  	_ =	swait.ge @!p2 [sflag:s10], $0x80  }
0x106: {  	s26 =	sadd.s32 $0xFFFFFFFF, s0;
	[sflag:s10] =	ssyncset.done @!p2 $0x0  }
0x107: {  	s11 =	simm.s32 @!p2 $0x80;
	[sflag:s10] =	ssyncadd.s32 @!p2 $0xFFFFFF80;
	s10 =	simm.s32 @!p2 $0x10380  }
0x108: {  	[tilespmem:s10], [sflag:$0x5] =	stream.indirect.gather @!p2 [hbm4b:s2+s11], $0x80, s22, s11, $0xb8;
	[tilespmem:$0x1C380] =	vst v63  }
0x109: {  	p2 =	sge.u32 s26, s6  }
0x10a: {  	_ =	swait.ge [sflag:s21], $0x4000;
	p3 =	seq.s32 @!p2 s0, $0x6  }
0x10b: {  	s28 =	rddreg [dreg:$0x9];
	[sflag:s21] =	ssyncset.done $0x0;
	p3 =	por p3, p2  }
0x10c: {  	[sflag:s21] =	ssyncadd.s32 $0xFFFFC000;
	s29 =	sadd.s32 s1, s28;
	s11 =	simm.s32 @!p3 $0xD  }
0x10d: {  	[hbm4b:s29+s5] =	stream.linear.scatter [tilespmem:s18], [sflag:$0xA], $0x4000, $0x38;
	[tilespmem:$0x1C380] =	vst v63  }
0x10e: {  	_ =	swait.ge @!p3 [sflag:s11], $0x4000  }
0x10f: {  	s22 =	simm.s32 @!p2 $0x280;
	s10 =	rddreg [dreg:$0x5];
	[sflag:s11] =	ssyncset.done @!p3 $0x0  }
0x110: {  	[sflag:s11] =	ssyncadd.s32 @!p3 $0xFFFFC000;
	s11 =	simm.s32 @!p2 $0x0;
	s10 =	sadd.s32 @!p2 s31, s10  }
0x111: {  	[tilespmem:s22], [sflag:$0xF] =	stream.linear.gather @!p2 [hbm4b:s10+s11], $0x80, $0x38;
	[tilespmem:$0x1C380] =	vst v63  }
0x112: {  	s10 =	simm.s32 @!p2 $0xF  }
0x113: {  	_ =	swait.ge @!p2 [sflag:s10], $0x80  }
0x114: {  	[sflag:s10] =	ssyncset.done @!p2 $0x0  }
0x115: {  	s11 =	simm.s32 @!p2 $0x80;
	[sflag:s10] =	ssyncadd.s32 @!p2 $0xFFFFFF80;
	s10 =	simm.s32 @!p2 $0x14380  }
0x116: {  	[tilespmem:s10], [sflag:$0x6] =	stream.indirect.gather @!p2 [hbm4b:s2+s11], $0x80, s22, s11, $0xb8;
	[tilespmem:$0x1C380] =	vst v63  }
0x117: {  	s10 =	simm.s32 @!p1 $0x4  }
0x118: {  	p2 =	sge.u32 s0, s6;
	_ =	swait.ge @!p1 [sflag:s10], $0x4000  }
0x119: {  	p3 =	seq.s32 @!p2 s0, $0x6;
	s11 =	rddreg [dreg:$0x7];
	[sflag:s10] =	ssyncset.done @!p1 $0x0  }
0x11a: {  	p3 =	por p3, p2;
	[sflag:s10] =	ssyncadd.s32 @!p1 $0xFFFFC000;
	s0 =	sadd.s32 @!p1 s1, s11  }
0x11b: {  	[hbm4b:s0+s3] =	stream.linear.scatter @!p1 [tilespmem:s9], [sflag:$0xB], $0x4000, $0x38;
	[tilespmem:$0x1C380] =	vst v63  }
0x11c: {  	s0 =	simm.s32 @!p3 $0xE  }
0x11d: {  	s3 =	simm.s32 @!p2 $0x300;
	_ =	swait.ge @!p3 [sflag:s0], $0x4000  }
0x11e: {  	s9 =	simm.s32 @!p2 $0xF;
	s1 =	rddreg [dreg:$0x4];
	[sflag:s0] =	ssyncset.done @!p3 $0x0  }
0x11f: {  	[sflag:s0] =	ssyncadd.s32 @!p3 $0xFFFFC000;
	s0 =	simm.s32 @!p2 $0x0;
	s1 =	sadd.s32 @!p2 s31, s1  }
0x120: {  	[tilespmem:s3], [sflag:$0xF] =	stream.linear.gather @!p2 [hbm4b:s1+s0], $0x80, $0x38;
	[tilespmem:$0x1C380] =	vst v63  }
0x121: {  	_ =	swait.ge @!p2 [sflag:s9], $0x80  }
0x122: {  	s22 =	simm.s32 $0x8;
	[sflag:s9] =	ssyncset.done @!p2 $0x0  }
0x123: {  	s0 =	simm.s32 @!p2 $0x18380;
	s1 =	simm.s32 @!p2 $0x80;
	[sflag:s9] =	ssyncadd.s32 @!p2 $0xFFFFFF80  }
0x124: {  	[tilespmem:s0], [sflag:$0x7] =	stream.indirect.gather @!p2 [hbm4b:s2+s1], $0x80, s3, s1, $0xb8;
	[tilespmem:$0x1C380] =	vst v63  }
0x125: {  	_ =	swait.ge [sflag:s22], $0x4000  }
0x126: {  	[sflag:s22] =	ssyncset.done $0x0  }
0x127: {  	s23 =	simm.s32 $0x9;
	[sflag:s22] =	ssyncadd.s32 $0xFFFFC000  }
0x128: {  	_ =	swait.ge [sflag:s23], $0x4000  }
0x129: {  	[sflag:s23] =	ssyncset.done $0x0  }
0x12a: {  	s24 =	simm.s32 $0xA;
	[sflag:s23] =	ssyncadd.s32 $0xFFFFC000  }
0x12b: {  	_ =	swait.ge [sflag:s24], $0x4000  }
0x12c: {  	[sflag:s24] =	ssyncset.done $0x0  }
0x12d: {  	s25 =	simm.s32 $0xB;
	[sflag:s24] =	ssyncadd.s32 $0xFFFFC000  }
0x12e: {  	_ =	swait.ge [sflag:s25], $0x4000  }
0x12f: {  	[sflag:s25] =	ssyncset.done $0x0  }
0x130: {  	s26 =	simm.s32 $0xC;
	[sflag:s25] =	ssyncadd.s32 $0xFFFFC000  }
0x131: {  	_ =	swait.ge [sflag:s26], $0x4000  }
0x132: {  	[sflag:s26] =	ssyncset.done $0x0  }
0x133: {  	s28 =	simm.s32 $0xD;
	[sflag:s26] =	ssyncadd.s32 $0xFFFFC000  }
0x134: {  	_ =	swait.ge [sflag:s28], $0x4000  }
0x135: {  	[sflag:s28] =	ssyncset.done $0x0  }
0x136: {  	s29 =	simm.s32 $0xE;
	[sflag:s28] =	ssyncadd.s32 $0xFFFFC000  }
0x137: {  	_ =	swait.ge [sflag:s29], $0x4000  }
0x138: {  	[sflag:s29] =	ssyncset.done $0x0  }
0x139: {  	v0 =	vimm.s32 @!p0 $0x0;
	[sflag:s29] =	ssyncadd.s32 $0xFFFFC000  }
0x13a: {  	[tilespmem:$0x0] =	vst @!p0 v0  }
0x13b: {  	[tilespmem:$0x10] =	vst @!p0 v0  }
0x13c: {  	[tilespmem:$0x20] =	vst @!p0 v0  }
0x13d: {  	[tilespmem:$0x30] =	vst @!p0 v0  }
0x13e: {  	[tilespmem:$0x40] =	vst @!p0 v0  }
0x13f: {  	[tilespmem:$0x50] =	vst @!p0 v0  }
0x140: {  	[tilespmem:$0x60] =	vst @!p0 v0  }
0x141: {  	s0 =	simm.s32 @!p0 $0x0;
	s1 =	rddreg [dreg:$0xd];
	[tilespmem:$0x70] =	vst @!p0 v0  }
0x142: {  	[tilespmem:s0], [sflag:$0xF] =	stream.linear.gather @!p0 [hbm4b:s1+s0], $0x20, $0x38;
	[tilespmem:$0x1C380] =	vst v63  }
0x143: {  	s1 =	simm.s32 @!p0 $0xF  }
0x144: {  	_ =	swait.ge @!p0 [sflag:s1], $0x20  }
0x145: {  	[sflag:s1] =	ssyncset.done @!p0 $0x0  }
0x146: {  	s9 =	simm.s32 @!p0 $0x380;
	s3 =	simm.s32 @!p0 $0x80;
	[sflag:s1] =	ssyncadd.s32 @!p0 $0xFFFFFFE0  }
0x147: {  	[tilespmem:s9], [sflag:$0x1] =	stream.indirect.gather @!p0 [hbm4b:s2+s3], $0x80, s0, s3, $0xb8;
	[tilespmem:$0x1C380] =	vst v63  }
0x148: {  	s3 =	simm.s32 @!p0 $0x1  }
0x149: {  	_ =	swait.ge @!p0 [sflag:s3], $0x4000  }
0x14a: {  	[sflag:s3] =	ssyncset.done @!p0 $0x0  }
0x14b: {  	[sflag:s3] =	ssyncadd.s32 @!p0 $0xFFFFC000;
	s3 =	rddreg [dreg:$0xe]  }
0x14c: {  	[hbm4b:s3+s0] =	stream.linear.scatter @!p0 [tilespmem:s9], [sflag:$0xF], $0x1000, $0x38;
	[tilespmem:$0x1C380] =	vst v63  }
0x14d: {  	_ =	swait.ge @!p0 [sflag:s1], $0x1000  }
0x14e: {  	s30 =	sadd.s32 $0x1, s30;
	s31 =	rddreg [dreg:$0xf]  }
0x14f: {  	p1 =	sne.s32 s30, s31  }
.Ltmp1:
0x150: {  	_ = 	snop;
	(pc) =	sbr.rel @p1 .LBB2_1-.Ltmp1, $3  }
0x151: {  	_ =	sdelay $0x1  }
0x152: {  	[sflag:s1] =	ssyncset.done @!p0 $0x0  }
0x153: {  	[sflag:s1] =	ssyncadd.s32 @!p0 $0xFFFFF000  }
0x154: {  	_ =	sfence.sel $0x180000  }
0x155: {  	[bflag:$0x0] =	sbarrier.arrive $0xFFFF  }
0x156: {  	_ =	strace $0x90000047  }
0x157: {  	s0 =	stileid.u32;
	[bflag:$0x2] =	sbarrier.arrive $0xFFFF  }
0x158: {  	p0 =	sne.s32 s0, $0x0;
	s0 =	rddreg [dreg:$0x3]  }
0x159: {  	s0 =	sadd.s32 @!p0 $0x100000, s0  }
0x15a: {  	[sflag:s0] =	ssyncadd.tile.s32 @!p0 $0x1;
	_ =	shalt  }
.Lfunc_end2:
_tile_overlayer_lowered:
.L_overlay_start_2:
0x15b: {  	(tag) =	ssettag $0x2  }
0x15c: {  	s0 =	rddreg [dreg:$0x0];
	s2 =	stileid.u32  }
0x15d: {  	s1 =	rddreg [dreg:$0x1];
	p0 =	sne.s32 s2, $0x0  }
0x15e: {  	s3 =	rddreg [dreg:$0x2];
	[bflag:$0x3] =	sbarrier.arrive $0xFFFF;
	s2 =	simm.s32 @!p0 $0x1C0F  }
0x15f: {  	[timem:s3], [sflag:s2] =	dma.local @!p0 [hbm:s0], s1  }
0x160: {  	s0 =	simm.s32 @!p0 $0xF  }
0x161: {  	_ =	swait.ge @!p0 [sflag:s0], s1  }
0x162: {  	s1 =	ssub.s32 @!p0 $0x0, s1;
	[sflag:s0] =	ssyncset.done @!p0 $0x0  }
0x163: {  	[sflag:s0] =	ssyncadd.s32 @!p0 s1  }
0x164: {  	[bflag:$0x3] =	sbarrier.arrive $0xFFFF  }
0x165: {  	_ =	shalt  }

</sc_bundles>
